<compile_context>
chip_gen: v7x
topology: tpu7x:2x2x1
jax: 0.10.2.dev20260603
libtpu: 0.0.44.dev20260713+nightly
codegen_flags: <defaults>
</compile_context>

<pallas_src>
import functools

import jax
import jax.numpy as jnp
from jax import lax
from jax.experimental import pallas as pl
from jax.experimental.pallas import tpu as pltpu
from jax.experimental.pallas import tpu_sc as plsc

N = 10000
E = 320000
D = 128

NC = 2
NS = 16
NW = NC * NS
CHUNK = 128
CPW = 80
EPW = CPW * CHUNK
EPAD = NW * EPW
NPAD = 10112
RPS = NPAD // NS
ECH = E // CHUNK

_f32 = jnp.float32


def _deg_body(ei, pad1d, zeros_n, out, idx_v, ones_v, deg_s, dsem, stsem):
    cid = lax.axis_index("c")
    sid = lax.axis_index("s")
    wid = sid * NC + cid
    base = wid * CPW

    def stage(j, c):
        gc = base + j

        @pl.when(gc < ECH)
        def _():
            pltpu.async_copy(ei.at[1, pl.ds(gc * CHUNK, CHUNK)],
                             idx_v.at[j], stsem)

        @pl.when(gc >= ECH)
        def _():
            pltpu.async_copy(pad1d.at[pl.ds((gc - ECH) * CHUNK, CHUNK)],
                             idx_v.at[j], stsem)

        return c

    lax.fori_loop(0, CPW, stage, 0)

    def stage_drain(j, c):
        gc = base + j

        @pl.when(gc < ECH)
        def _():
            pltpu.make_async_copy(ei.at[1, pl.ds(gc * CHUNK, CHUNK)],
                                  idx_v.at[j], stsem).wait()

        @pl.when(gc >= ECH)
        def _():
            pltpu.make_async_copy(
                pad1d.at[pl.ds((gc - ECH) * CHUNK, CHUNK)],
                idx_v.at[j], stsem).wait()

        return c

    lax.fori_loop(0, CPW, stage_drain, 0)
    for k in range(CHUNK // 16):
        ones_v[pl.ds(k * 16, 16)] = jnp.full((16,), 1.0, _f32)

    @pl.when(sid == 0)
    def _():
        pltpu.sync_copy(zeros_n, deg_s)

    plsc.subcore_barrier()

    def body(j, c):
        pltpu.async_copy(ones_v, deg_s.at[idx_v.at[j]], dsem, add=True)
        return c

    lax.fori_loop(0, CPW, body, 0)

    def drain(j, c):
        pltpu.make_async_copy(ones_v, deg_s.at[idx_v.at[j]], dsem).wait()
        return c

    lax.fori_loop(0, CPW, drain, 0)
    plsc.subcore_barrier()

    @pl.when(sid == 0)
    def _():
        pltpu.sync_copy(deg_s, out.at[cid])


_k1 = functools.partial(
    pl.kernel,
    out_type=jax.ShapeDtypeStruct((NC, NPAD), _f32),
    mesh=plsc.VectorSubcoreMesh(core_axis_name="c", subcore_axis_name="s"),
    scratch_types=[
        pltpu.VMEM((CPW, CHUNK), jnp.int32),
        pltpu.VMEM((CHUNK,), _f32),
        pltpu.VMEM_SHARED((NPAD,), _f32),
        pltpu.SemaphoreType.DMA,
        pltpu.SemaphoreType.DMA,
    ],
)(_deg_body)


def _tc1_body(x_ref, w1_ref, dp_ref, dis_ref, xws_ref):
    deg = dp_ref[0:1, :] + dp_ref[1:2, :] + 1.0
    dis_row = lax.rsqrt(deg)
    dis_ref[...] = dis_row.reshape(NPAD)
    dis_col = jnp.transpose(dis_row)
    xs = x_ref[...] * dis_col[:N]
    xw = jnp.dot(xs, w1_ref[...], preferred_element_type=_f32)
    xws_ref[0:N, :] = xw
    xws_ref[N:NPAD, :] = jnp.zeros((NPAD - N, D), _f32)


_k2 = pl.pallas_call(
    _tc1_body,
    out_shape=(
        jax.ShapeDtypeStruct((NPAD,), _f32),
        jax.ShapeDtypeStruct((NPAD, D), _f32),
    ),
)


_CPH = CPW // 2


def _edge_body(ei, pad1d, xws, dis_h, zeros_nd, zeros_n,
               acc_out, g_out,
               ridx, cidx, rows0, rows1, gval0, gval1,
               acc_s, g_s, dis_spm,
               sem0, sem1, gsem0, gsem1, stsem, stsem2):
    cid = lax.axis_index("c")
    sid = lax.axis_index("s")
    wid = sid * NC + cid
    base = wid * CPW
    pltpu.sync_copy(zeros_nd.at[pl.ds(sid * RPS, RPS)],
                    acc_s.at[pl.ds(sid * RPS, RPS)])

    @pl.when(sid == 0)
    def _():
        pltpu.sync_copy(zeros_n, g_s)
        pltpu.sync_copy(dis_h, dis_spm)

    plsc.subcore_barrier()

    rows_b = (rows0, rows1)
    sem_b = (sem0, sem1)
    gval_b = (gval0, gval1)
    gsem_b = (gsem0, gsem1)

    def _consume(j, b, nxt):
        pltpu.make_async_copy(xws.at[ridx.at[j]], rows_b[b], sem_b[b]).wait()

        @pl.when(nxt < _CPH)
        def _():
            pltpu.async_copy(xws.at[ridx.at[nxt]], rows_b[b], sem_b[b])

        pltpu.sync_copy(rows_b[b], acc_s.at[cidx.at[j]], add=True)
        pltpu.make_async_copy(dis_spm.at[cidx.at[j]], gval_b[b],
                              gsem_b[b]).wait()

        @pl.when(nxt < _CPH)
        def _():
            pltpu.async_copy(dis_spm.at[cidx.at[nxt]], gval_b[b], gsem_b[b])

        pltpu.sync_copy(gval_b[b], g_s.at[ridx.at[j]], add=True)

    for h in range(2):
        hb = base + h * _CPH

        def stage(j, c):
            gc = hb + j

            @pl.when(gc < ECH)
            def _():
                pltpu.async_copy(ei.at[0, pl.ds(gc * CHUNK, CHUNK)],
                                 ridx.at[j], stsem)
                pltpu.async_copy(ei.at[1, pl.ds(gc * CHUNK, CHUNK)],
                                 cidx.at[j], stsem2)

            @pl.when(gc >= ECH)
            def _():
                po = (gc - ECH) * CHUNK
                pltpu.async_copy(pad1d.at[pl.ds(po, CHUNK)], ridx.at[j],
                                 stsem)
                pltpu.async_copy(pad1d.at[pl.ds(po, CHUNK)], cidx.at[j],
                                 stsem2)

            return c

        lax.fori_loop(0, _CPH, stage, 0)

        def stage_drain(j, c):
            gc = hb + j

            @pl.when(gc < ECH)
            def _():
                pltpu.make_async_copy(ei.at[0, pl.ds(gc * CHUNK, CHUNK)],
                                      ridx.at[j], stsem).wait()
                pltpu.make_async_copy(ei.at[1, pl.ds(gc * CHUNK, CHUNK)],
                                      cidx.at[j], stsem2).wait()

            @pl.when(gc >= ECH)
            def _():
                po = (gc - ECH) * CHUNK
                pltpu.make_async_copy(pad1d.at[pl.ds(po, CHUNK)],
                                      ridx.at[j], stsem).wait()
                pltpu.make_async_copy(pad1d.at[pl.ds(po, CHUNK)],
                                      cidx.at[j], stsem2).wait()

            return c

        lax.fori_loop(0, _CPH, stage_drain, 0)
        pltpu.async_copy(xws.at[ridx.at[0]], rows0, sem0)
        pltpu.async_copy(xws.at[ridx.at[1]], rows1, sem1)
        pltpu.async_copy(dis_spm.at[cidx.at[0]], gval0, gsem0)
        pltpu.async_copy(dis_spm.at[cidx.at[1]], gval1, gsem1)

        def body(t, c):
            j0 = 2 * t
            _consume(j0, 0, j0 + 2)
            _consume(j0 + 1, 1, j0 + 3)
            return c

        lax.fori_loop(0, _CPH // 2, body, 0)

    plsc.subcore_barrier()

    pltpu.sync_copy(acc_s.at[pl.ds(sid * RPS, RPS)],
                    acc_out.at[cid, pl.ds(sid * RPS, RPS)])

    @pl.when(sid == 0)
    def _():
        pltpu.sync_copy(g_s, g_out.at[cid])


_k3 = functools.partial(
    pl.kernel,
    out_type=(
        jax.ShapeDtypeStruct((NC, NPAD, D), _f32),
        jax.ShapeDtypeStruct((NC, NPAD), _f32),
    ),
    mesh=plsc.VectorSubcoreMesh(core_axis_name="c", subcore_axis_name="s"),
    scratch_types=[
        pltpu.VMEM((_CPH, CHUNK), jnp.int32),
        pltpu.VMEM((_CPH, CHUNK), jnp.int32),
        pltpu.VMEM((CHUNK, D), _f32),
        pltpu.VMEM((CHUNK, D), _f32),
        pltpu.VMEM((CHUNK,), _f32),
        pltpu.VMEM((CHUNK,), _f32),
        pltpu.VMEM_SHARED((NPAD, D), _f32),
        pltpu.VMEM_SHARED((NPAD,), _f32),
        pltpu.VMEM_SHARED((NPAD,), _f32),
    ] + [pltpu.SemaphoreType.DMA] * 6,
    compiler_params=pltpu.CompilerParams(needs_layout_passes=False),
)(_edge_body)


def _tc2_body(ap, xws, dp, gp, b1, w2, b2, out):
    a = ap[0] + ap[1] + xws[...]
    dis_row = lax.rsqrt(dp[0:1, :] + dp[1:2, :] + 1.0)
    dis_col = jnp.transpose(dis_row)
    h = jnp.maximum(dis_col * a + b1[...], 0.0)
    g_row = gp[0:1, :] + gp[1:2, :]
    s = dis_row * (g_row + dis_row) * (1.0 / N)
    cid = lax.broadcasted_iota(jnp.int32, (1, NPAD), 1)
    s = jnp.where(cid < N, s, 0.0)
    v = jnp.dot(s, h, preferred_element_type=_f32)
    out[...] = jnp.dot(v, w2[...], preferred_element_type=_f32) + b2[...]


_k4 = pl.pallas_call(
    _tc2_body,
    out_shape=jax.ShapeDtypeStruct((1, D), _f32),
)


def kernel(x, edge_index, W1, b1, W2, b2):

    pad1d = N + (jnp.arange(EPAD - E, dtype=jnp.int32) % (NPAD - N))
    zeros_n = jnp.zeros((NPAD,), _f32)
    zeros_nd = jnp.zeros((NPAD, D), _f32)

    deg_parts = _k1(edge_index, pad1d, zeros_n)
    dis1d, xws = _k2(x, W1, deg_parts)
    acc_parts, g_parts = _k3(edge_index, pad1d, xws, dis1d, zeros_nd, zeros_n)
    out2d = _k4(acc_parts, xws, deg_parts, g_parts,
                b1.reshape(1, D), W2, b2.reshape(1, D))
    return out2d.reshape(D)

# --- scband reference (transcript-rebuilt; emitter-appended) ---
"""Pipeline reference for scband-graph-encoder-14886356648544 (READ-ONLY COPY).

The authoritative reference and input builder live on the scoring server;
editing this copy changes nothing except your own understanding.
"""

import jax, jax.numpy as jnp
import numpy as np

N = 10000
E = 320000
D_IN = 128
D_H = 128
D_OUT = 128


def setup_inputs(seed: int = 0) -> dict:
    key = jax.random.key(seed)
    k1, k2, k3, k4, k5, k6 = jax.random.split(key, 6)
    x = jax.random.normal(k1, (N, D_IN), dtype=jnp.float32)
    edge_index = jax.random.randint(k2, (2, E), 0, N, dtype=jnp.int32)
    W1 = jax.random.normal(k3, (D_IN, D_H), dtype=jnp.float32) * (1.0 / np.sqrt(D_IN))
    b1 = jax.random.normal(k4, (D_H,), dtype=jnp.float32) * 0.01
    W2 = jax.random.normal(k5, (D_H, D_OUT), dtype=jnp.float32) * (1.0 / np.sqrt(D_H))
    b2 = jax.random.normal(k6, (D_OUT,), dtype=jnp.float32) * 0.01
    return {"x": x, "edge_index": edge_index, "W1": W1, "b1": b1, "W2": W2, "b2": b2}


def _gcn_conv(x, edge_index, W, b):
    # Faithful PyG GCNConv: linear (no bias) -> add self-loops -> symmetric norm -> scatter-add -> +bias
    row = edge_index[0]
    col = edge_index[1]
    loop = jnp.arange(N, dtype=edge_index.dtype)
    row = jnp.concatenate([row, loop])
    col = jnp.concatenate([col, loop])
    deg = jnp.zeros((N,), dtype=x.dtype).at[col].add(1.0)
    deg_inv_sqrt = jnp.where(deg > 0, 1.0 / jnp.sqrt(deg), 0.0)
    norm = deg_inv_sqrt[row] * deg_inv_sqrt[col]
    xw = x @ W
    msg = jnp.take(xw, row, axis=0) * norm[:, None]
    out = jnp.zeros((N, W.shape[1]), dtype=x.dtype).at[col].add(msg)
    return out + b


def reference(x, edge_index, W1, b1, W2, b2):
    h = jax.nn.relu(_gcn_conv(x, edge_index, W1, b1))
    h = _gcn_conv(h, edge_index, W2, b2)
    # no `batch` attribute in this setup -> x.mean(dim=0)
    return h.mean(axis=0)

if __name__ == "__main__":
    import jax
    _d = setup_inputs()
    print(jax.jit(kernel)(*tuple(_d.values())))

</pallas_src>

<mosaic_0001>
#map = affine_map<(d0, d1) -> (0, 0)>
#map1 = affine_map<(d0, d1) -> (0)>
module attributes {stable_mosaic.version = 14 : i64} {
  func.func @_deg_body(%arg0: i32, %arg1: i32, %arg2: memref<2x320000xi32, #tpu.memory_space<hbm>>, %arg3: memref<7680xi32, #tpu.memory_space<hbm>>, %arg4: memref<10112xf32, #tpu.memory_space<hbm>>, %arg5: memref<2x10112xf32, #tpu.memory_space<hbm>>, %arg6: memref<80x128xi32, #tpu.memory_space<vmem>>, %arg7: memref<128xf32, #tpu.memory_space<vmem>>, %arg8: memref<10112xf32, #tpu.memory_space<vmem_shared>>, %arg9: memref<!tpu.dma_semaphore, #tpu.memory_space<semaphore_mem>>, %arg10: memref<!tpu.dma_semaphore, #tpu.memory_space<semaphore_mem>>) attributes {dimension_semantics = [#tpu.dimension_semantics<core_parallel>, #tpu.dimension_semantics<subcore_parallel>], iteration_bounds = array<i64: 2, 16>, scalar_prefetch = 0 : i64, scratch_operands = 5 : i64, tpu.core_type = #tpu.core_type<sc_vector_subcore>, window_params = [{transform_indices = #map}, {transform_indices = #map1}, {transform_indices = #map1}, {transform_indices = #map}]} {
    %mul3A = arith.constant 2 : i32
    %mul3A_0 = arith.muli %arg1, %mul3A : i32
    %add3A = arith.addi %mul3A_0, %arg0 : i32
    %mul3A_1 = arith.constant 80 : i32
    %mul3A_2 = arith.muli %add3A, %mul3A_1 : i32
    %scan3A = arith.constant 0 : i32
    %scan3A_3 = arith.constant 0 : i32
    %scan3A_4 = arith.constant 80 : i32
    %scan3A_5 = arith.addi %scan3A_3, %scan3A_4 : i32
    %scan3A_6 = arith.constant 1 : i32
    scf.for %scan3A_80 = %scan3A_3 to %scan3A_5 step %scan3A_6  : i32 {
      %add3A_81 = arith.addi %mul3A_2, %scan3A_80 : i32
      %lt3A = arith.constant 2500 : i32
      %lt3A_82 = arith.cmpi slt, %add3A_81, %lt3A : i32
      %convert_element_type3A_83 = arith.extui %lt3A_82 : i1 to i32
      %cond3A_84 = arith.constant 0 : i32
      %cond3A_85 = arith.cmpi ne, %convert_element_type3A_83, %cond3A_84 : i32
      scf.if %cond3A_85 {
        %mul3A_90 = arith.constant 128 : i32
        %mul3A_91 = arith.muli %add3A_81, %mul3A_90 : i32
        %dma_start3A = arith.constant 1 : i32
        %dma_start3A_92 = arith.constant 0 : i32
        %dma_start3A_93 = tpu.memref_slice %arg6[%scan3A_80, %dma_start3A_92] : memref<80x128xi32, #tpu.memory_space<vmem>> -> memref<1x128xi32, #tpu.memory_space<vmem>>
        %dma_start3A_94 = tpu.memref_squeeze %dma_start3A_93 : memref<1x128xi32, #tpu.memory_space<vmem>> -> memref<128xi32, #tpu.memory_space<vmem>>
        %dma_start3A_95 = tpu.memref_slice %arg2[%dma_start3A, %mul3A_91] : memref<2x320000xi32, #tpu.memory_space<hbm>> -> memref<1x128xi32, #tpu.memory_space<hbm>>
        %dma_start3A_96 = tpu.memref_squeeze %dma_start3A_95 : memref<1x128xi32, #tpu.memory_space<hbm>> -> memref<128xi32, #tpu.memory_space<hbm>>
        %dma_start3A_97 = arith.constant 0 : i32
        %dma_start3A_98 = tpu.memref_slice %arg6[%scan3A_80, %dma_start3A_97] : memref<80x128xi32, #tpu.memory_space<vmem>> -> memref<1x128xi32, #tpu.memory_space<vmem>>
        %dma_start3A_99 = tpu.memref_squeeze %dma_start3A_98 : memref<1x128xi32, #tpu.memory_space<vmem>> -> memref<128xi32, #tpu.memory_space<vmem>>
        %dma_start3A_100 = tpu.memref_slice %arg2[%dma_start3A, %mul3A_91] : memref<2x320000xi32, #tpu.memory_space<hbm>> -> memref<1x128xi32, #tpu.memory_space<hbm>>
        %dma_start3A_101 = tpu.memref_squeeze %dma_start3A_100 : memref<1x128xi32, #tpu.memory_space<hbm>> -> memref<128xi32, #tpu.memory_space<hbm>>
        tpu.enqueue_dma source(%dma_start3A_101 : memref<128xi32, #tpu.memory_space<hbm>>) target(%dma_start3A_99 : memref<128xi32, #tpu.memory_space<vmem>>) target_semaphore(%arg10 : memref<!tpu.dma_semaphore, #tpu.memory_space<semaphore_mem>>)
      } else {
      }
      %ge3A = arith.constant 2500 : i32
      %ge3A_86 = arith.cmpi sge, %add3A_81, %ge3A : i32
      %convert_element_type3A_87 = arith.extui %ge3A_86 : i1 to i32
      %cond3A_88 = arith.constant 0 : i32
      %cond3A_89 = arith.cmpi ne, %convert_element_type3A_87, %cond3A_88 : i32
      scf.if %cond3A_89 {
        %sub3A = arith.constant 2500 : i32
        %sub3A_90 = arith.subi %add3A_81, %sub3A : i32
        %mul3A_91 = arith.constant 128 : i32
        %mul3A_92 = arith.muli %sub3A_90, %mul3A_91 : i32
        %dma_start3A = arith.constant 0 : i32
        %dma_start3A_93 = tpu.memref_slice %arg6[%scan3A_80, %dma_start3A] : memref<80x128xi32, #tpu.memory_space<vmem>> -> memref<1x128xi32, #tpu.memory_space<vmem>>
        %dma_start3A_94 = tpu.memref_squeeze %dma_start3A_93 : memref<1x128xi32, #tpu.memory_space<vmem>> -> memref<128xi32, #tpu.memory_space<vmem>>
        %dma_start3A_95 = tpu.memref_slice %arg3[%mul3A_92] : memref<7680xi32, #tpu.memory_space<hbm>> -> memref<128xi32, #tpu.memory_space<hbm>>
        %dma_start3A_96 = arith.constant 0 : i32
        %dma_start3A_97 = tpu.memref_slice %arg6[%scan3A_80, %dma_start3A_96] : memref<80x128xi32, #tpu.memory_space<vmem>> -> memref<1x128xi32, #tpu.memory_space<vmem>>
        %dma_start3A_98 = tpu.memref_squeeze %dma_start3A_97 : memref<1x128xi32, #tpu.memory_space<vmem>> -> memref<128xi32, #tpu.memory_space<vmem>>
        %dma_start3A_99 = tpu.memref_slice %arg3[%mul3A_92] : memref<7680xi32, #tpu.memory_space<hbm>> -> memref<128xi32, #tpu.memory_space<hbm>>
        tpu.enqueue_dma source(%dma_start3A_99 : memref<128xi32, #tpu.memory_space<hbm>>) target(%dma_start3A_98 : memref<128xi32, #tpu.memory_space<vmem>>) target_semaphore(%arg10 : memref<!tpu.dma_semaphore, #tpu.memory_space<semaphore_mem>>)
      } else {
      }
    }
    %scan3A_7 = arith.constant 80 : i32
    %scan3A_8 = arith.constant 0 : i32
    %scan3A_9 = arith.constant 0 : i32
    %scan3A_10 = arith.constant 80 : i32
    %scan3A_11 = arith.addi %scan3A_9, %scan3A_10 : i32
    %scan3A_12 = arith.constant 1 : i32
    scf.for %scan3A_80 = %scan3A_9 to %scan3A_11 step %scan3A_12  : i32 {
      %add3A_81 = arith.addi %mul3A_2, %scan3A_80 : i32
      %lt3A = arith.constant 2500 : i32
      %lt3A_82 = arith.cmpi slt, %add3A_81, %lt3A : i32
      %convert_element_type3A_83 = arith.extui %lt3A_82 : i1 to i32
      %cond3A_84 = arith.constant 0 : i32
      %cond3A_85 = arith.cmpi ne, %convert_element_type3A_83, %cond3A_84 : i32
      scf.if %cond3A_85 {
        %mul3A_90 = arith.constant 128 : i32
        %mul3A_91 = arith.muli %add3A_81, %mul3A_90 : i32
        %dma_wait3A = arith.constant 1 : i32
        %dma_wait3A_92 = arith.constant 0 : i32
        %dma_wait3A_93 = tpu.memref_slice %arg6[%scan3A_80, %dma_wait3A_92] : memref<80x128xi32, #tpu.memory_space<vmem>> -> memref<1x128xi32, #tpu.memory_space<vmem>>
        %dma_wait3A_94 = tpu.memref_squeeze %dma_wait3A_93 : memref<1x128xi32, #tpu.memory_space<vmem>> -> memref<128xi32, #tpu.memory_space<vmem>>
        %dma_wait3A_95 = tpu.memref_slice %arg2[%dma_wait3A, %mul3A_91] : memref<2x320000xi32, #tpu.memory_space<hbm>> -> memref<1x128xi32, #tpu.memory_space<hbm>>
        %dma_wait3A_96 = tpu.memref_squeeze %dma_wait3A_95 : memref<1x128xi32, #tpu.memory_space<hbm>> -> memref<128xi32, #tpu.memory_space<hbm>>
        %dma_wait3A_97 = arith.constant 0 : i32
        %dma_wait3A_98 = tpu.memref_slice %arg6[%scan3A_80, %dma_wait3A_97] : memref<80x128xi32, #tpu.memory_space<vmem>> -> memref<1x128xi32, #tpu.memory_space<vmem>>
        %dma_wait3A_99 = tpu.memref_squeeze %dma_wait3A_98 : memref<1x128xi32, #tpu.memory_space<vmem>> -> memref<128xi32, #tpu.memory_space<vmem>>
        %dma_wait3A_100 = tpu.memref_slice %arg2[%dma_wait3A, %mul3A_91] : memref<2x320000xi32, #tpu.memory_space<hbm>> -> memref<1x128xi32, #tpu.memory_space<hbm>>
        %dma_wait3A_101 = tpu.memref_squeeze %dma_wait3A_100 : memref<1x128xi32, #tpu.memory_space<hbm>> -> memref<128xi32, #tpu.memory_space<hbm>>
        tpu.wait_dma2 semaphore(%arg10 : memref<!tpu.dma_semaphore, #tpu.memory_space<semaphore_mem>>) src(%dma_wait3A_101 : memref<128xi32, #tpu.memory_space<hbm>>) dst(%dma_wait3A_99 : memref<128xi32, #tpu.memory_space<vmem>>)
      } else {
      }
      %ge3A = arith.constant 2500 : i32
      %ge3A_86 = arith.cmpi sge, %add3A_81, %ge3A : i32
      %convert_element_type3A_87 = arith.extui %ge3A_86 : i1 to i32
      %cond3A_88 = arith.constant 0 : i32
      %cond3A_89 = arith.cmpi ne, %convert_element_type3A_87, %cond3A_88 : i32
      scf.if %cond3A_89 {
        %sub3A = arith.constant 2500 : i32
        %sub3A_90 = arith.subi %add3A_81, %sub3A : i32
        %mul3A_91 = arith.constant 128 : i32
        %mul3A_92 = arith.muli %sub3A_90, %mul3A_91 : i32
        %dma_wait3A = arith.constant 0 : i32
        %dma_wait3A_93 = tpu.memref_slice %arg6[%scan3A_80, %dma_wait3A] : memref<80x128xi32, #tpu.memory_space<vmem>> -> memref<1x128xi32, #tpu.memory_space<vmem>>
        %dma_wait3A_94 = tpu.memref_squeeze %dma_wait3A_93 : memref<1x128xi32, #tpu.memory_space<vmem>> -> memref<128xi32, #tpu.memory_space<vmem>>
        %dma_wait3A_95 = tpu.memref_slice %arg3[%mul3A_92] : memref<7680xi32, #tpu.memory_space<hbm>> -> memref<128xi32, #tpu.memory_space<hbm>>
        %dma_wait3A_96 = arith.constant 0 : i32
        %dma_wait3A_97 = tpu.memref_slice %arg6[%scan3A_80, %dma_wait3A_96] : memref<80x128xi32, #tpu.memory_space<vmem>> -> memref<1x128xi32, #tpu.memory_space<vmem>>
        %dma_wait3A_98 = tpu.memref_squeeze %dma_wait3A_97 : memref<1x128xi32, #tpu.memory_space<vmem>> -> memref<128xi32, #tpu.memory_space<vmem>>
        %dma_wait3A_99 = tpu.memref_slice %arg3[%mul3A_92] : memref<7680xi32, #tpu.memory_space<hbm>> -> memref<128xi32, #tpu.memory_space<hbm>>
        tpu.wait_dma2 semaphore(%arg10 : memref<!tpu.dma_semaphore, #tpu.memory_space<semaphore_mem>>) src(%dma_wait3A_99 : memref<128xi32, #tpu.memory_space<hbm>>) dst(%dma_wait3A_98 : memref<128xi32, #tpu.memory_space<vmem>>)
      } else {
      }
    }
    %scan3A_13 = arith.constant 80 : i32
    %broadcast_in_dim3A = arith.constant 1.000000e+00 : f32
    %broadcast_in_dim3A_14 = vector.broadcast %broadcast_in_dim3A : f32 to vector<16xf32>
    %swap3A = arith.constant 0 : index
    %swap3A_15 = tpu.vector_load %arg7[%swap3A] {strides = array<i32>} : memref<128xf32, #tpu.memory_space<vmem>>, vector<16xf32>,
    %swap3A_16 = vector.shape_cast %swap3A_15 : vector<16xf32> to vector<16xf32>
    %swap3A_17 = vector.shape_cast %broadcast_in_dim3A_14 : vector<16xf32> to vector<16xf32>
    tpu.vector_store %arg7[%swap3A], %swap3A_17 {strides = array<i32>} : memref<128xf32, #tpu.memory_space<vmem>>, vector<16xf32>,
    %broadcast_in_dim3A_18 = arith.constant 1.000000e+00 : f32
    %broadcast_in_dim3A_19 = vector.broadcast %broadcast_in_dim3A_18 : f32 to vector<16xf32>
    %swap3A_20 = arith.constant 16 : index
    %swap3A_21 = tpu.vector_load %arg7[%swap3A_20] {strides = array<i32>} : memref<128xf32, #tpu.memory_space<vmem>>, vector<16xf32>,
    %swap3A_22 = vector.shape_cast %swap3A_21 : vector<16xf32> to vector<16xf32>
    %swap3A_23 = vector.shape_cast %broadcast_in_dim3A_19 : vector<16xf32> to vector<16xf32>
    tpu.vector_store %arg7[%swap3A_20], %swap3A_23 {strides = array<i32>} : memref<128xf32, #tpu.memory_space<vmem>>, vector<16xf32>,
    %broadcast_in_dim3A_24 = arith.constant 1.000000e+00 : f32
    %broadcast_in_dim3A_25 = vector.broadcast %broadcast_in_dim3A_24 : f32 to vector<16xf32>
    %swap3A_26 = arith.constant 32 : index
    %swap3A_27 = tpu.vector_load %arg7[%swap3A_26] {strides = array<i32>} : memref<128xf32, #tpu.memory_space<vmem>>, vector<16xf32>,
    %swap3A_28 = vector.shape_cast %swap3A_27 : vector<16xf32> to vector<16xf32>
    %swap3A_29 = vector.shape_cast %broadcast_in_dim3A_25 : vector<16xf32> to vector<16xf32>
    tpu.vector_store %arg7[%swap3A_26], %swap3A_29 {strides = array<i32>} : memref<128xf32, #tpu.memory_space<vmem>>, vector<16xf32>,
    %broadcast_in_dim3A_30 = arith.constant 1.000000e+00 : f32
    %broadcast_in_dim3A_31 = vector.broadcast %broadcast_in_dim3A_30 : f32 to vector<16xf32>
    %swap3A_32 = arith.constant 48 : index
    %swap3A_33 = tpu.vector_load %arg7[%swap3A_32] {strides = array<i32>} : memref<128xf32, #tpu.memory_space<vmem>>, vector<16xf32>,
    %swap3A_34 = vector.shape_cast %swap3A_33 : vector<16xf32> to vector<16xf32>
    %swap3A_35 = vector.shape_cast %broadcast_in_dim3A_31 : vector<16xf32> to vector<16xf32>
    tpu.vector_store %arg7[%swap3A_32], %swap3A_35 {strides = array<i32>} : memref<128xf32, #tpu.memory_space<vmem>>, vector<16xf32>,
    %broadcast_in_dim3A_36 = arith.constant 1.000000e+00 : f32
    %broadcast_in_dim3A_37 = vector.broadcast %broadcast_in_dim3A_36 : f32 to vector<16xf32>
    %swap3A_38 = arith.constant 64 : index
    %swap3A_39 = tpu.vector_load %arg7[%swap3A_38] {strides = array<i32>} : memref<128xf32, #tpu.memory_space<vmem>>, vector<16xf32>,
    %swap3A_40 = vector.shape_cast %swap3A_39 : vector<16xf32> to vector<16xf32>
    %swap3A_41 = vector.shape_cast %broadcast_in_dim3A_37 : vector<16xf32> to vector<16xf32>
    tpu.vector_store %arg7[%swap3A_38], %swap3A_41 {strides = array<i32>} : memref<128xf32, #tpu.memory_space<vmem>>, vector<16xf32>,
    %broadcast_in_dim3A_42 = arith.constant 1.000000e+00 : f32
    %broadcast_in_dim3A_43 = vector.broadcast %broadcast_in_dim3A_42 : f32 to vector<16xf32>
    %swap3A_44 = arith.constant 80 : index
    %swap3A_45 = tpu.vector_load %arg7[%swap3A_44] {strides = array<i32>} : memref<128xf32, #tpu.memory_space<vmem>>, vector<16xf32>,
    %swap3A_46 = vector.shape_cast %swap3A_45 : vector<16xf32> to vector<16xf32>
    %swap3A_47 = vector.shape_cast %broadcast_in_dim3A_43 : vector<16xf32> to vector<16xf32>
    tpu.vector_store %arg7[%swap3A_44], %swap3A_47 {strides = array<i32>} : memref<128xf32, #tpu.memory_space<vmem>>, vector<16xf32>,
    %broadcast_in_dim3A_48 = arith.constant 1.000000e+00 : f32
    %broadcast_in_dim3A_49 = vector.broadcast %broadcast_in_dim3A_48 : f32 to vector<16xf32>
    %swap3A_50 = arith.constant 96 : index
    %swap3A_51 = tpu.vector_load %arg7[%swap3A_50] {strides = array<i32>} : memref<128xf32, #tpu.memory_space<vmem>>, vector<16xf32>,
    %swap3A_52 = vector.shape_cast %swap3A_51 : vector<16xf32> to vector<16xf32>
    %swap3A_53 = vector.shape_cast %broadcast_in_dim3A_49 : vector<16xf32> to vector<16xf32>
    tpu.vector_store %arg7[%swap3A_50], %swap3A_53 {strides = array<i32>} : memref<128xf32, #tpu.memory_space<vmem>>, vector<16xf32>,
    %broadcast_in_dim3A_54 = arith.constant 1.000000e+00 : f32
    %broadcast_in_dim3A_55 = vector.broadcast %broadcast_in_dim3A_54 : f32 to vector<16xf32>
    %swap3A_56 = arith.constant 112 : index
    %swap3A_57 = tpu.vector_load %arg7[%swap3A_56] {strides = array<i32>} : memref<128xf32, #tpu.memory_space<vmem>>, vector<16xf32>,
    %swap3A_58 = vector.shape_cast %swap3A_57 : vector<16xf32> to vector<16xf32>
    %swap3A_59 = vector.shape_cast %broadcast_in_dim3A_55 : vector<16xf32> to vector<16xf32>
    tpu.vector_store %arg7[%swap3A_56], %swap3A_59 {strides = array<i32>} : memref<128xf32, #tpu.memory_space<vmem>>, vector<16xf32>,
    %eq3A = arith.constant 0 : i32
    %eq3A_60 = arith.cmpi eq, %arg1, %eq3A : i32
    %convert_element_type3A = arith.extui %eq3A_60 : i1 to i32
    %cond3A = arith.constant 0 : i32
    %cond3A_61 = arith.cmpi ne, %convert_element_type3A, %cond3A : i32
    scf.if %cond3A_61 {
      "tpu.region"() ({
        %run_scoped3A = tpu.sem_alloc : memref<!tpu.dma_semaphore, #tpu.memory_space<semaphore_mem>>
        tpu.enqueue_dma source(%arg4 : memref<10112xf32, #tpu.memory_space<hbm>>) target(%arg8 : memref<10112xf32, #tpu.memory_space<vmem_shared>>) target_semaphore(%run_scoped3A : memref<!tpu.dma_semaphore, #tpu.memory_space<semaphore_mem>>)
        tpu.wait_dma2 semaphore(%run_scoped3A : memref<!tpu.dma_semaphore, #tpu.memory_space<semaphore_mem>>) src(%arg4 : memref<10112xf32, #tpu.memory_space<hbm>>) dst(%arg8 : memref<10112xf32, #tpu.memory_space<vmem_shared>>)
        tpu.yield
      }) : () -> ()
    } else {
    }
    %barrier3A = arith.constant 0 : index
    tpu.barrier barrier_id(%barrier3A)
    %scan3A_62 = arith.constant 0 : i32
    %scan3A_63 = arith.constant 0 : i32
    %scan3A_64 = arith.constant 80 : i32
    %scan3A_65 = arith.addi %scan3A_63, %scan3A_64 : i32
    %scan3A_66 = arith.constant 1 : i32
    scf.for %scan3A_80 = %scan3A_63 to %scan3A_65 step %scan3A_66  : i32 {
      %dma_start3A = arith.constant 0 : i32
      %dma_start3A_81 = tpu.memref_slice %arg6[%scan3A_80, %dma_start3A] : memref<80x128xi32, #tpu.memory_space<vmem>> -> memref<1x128xi32, #tpu.memory_space<vmem>>
      %dma_start3A_82 = tpu.memref_squeeze %dma_start3A_81 : memref<1x128xi32, #tpu.memory_space<vmem>> -> memref<128xi32, #tpu.memory_space<vmem>>
      %dma_start3A_83 = arith.constant 0 : i32
      %dma_start3A_84 = tpu.memref_slice %arg8[%dma_start3A_83] : memref<10112xf32, #tpu.memory_space<vmem_shared>> -> memref<10112xf32, #tpu.memory_space<vmem_shared>>
      tpu.enqueue_indirect_dma source(%arg7 : memref<128xf32, #tpu.memory_space<vmem>>) target(%dma_start3A_84 : memref<10112xf32, #tpu.memory_space<vmem_shared>>) offsets(%dma_start3A_82 : memref<128xi32, #tpu.memory_space<vmem>>) semaphore(%arg9 : memref<!tpu.dma_semaphore, #tpu.memory_space<semaphore_mem>>) {add = true}
    }
    %scan3A_67 = arith.constant 80 : i32
    %scan3A_68 = arith.constant 0 : i32
    %scan3A_69 = arith.constant 0 : i32
    %scan3A_70 = arith.constant 80 : i32
    %scan3A_71 = arith.addi %scan3A_69, %scan3A_70 : i32
    %scan3A_72 = arith.constant 1 : i32
    scf.for %scan3A_80 = %scan3A_69 to %scan3A_71 step %scan3A_72  : i32 {
      %dma_wait3A = arith.constant 0 : i32
      %dma_wait3A_81 = tpu.memref_slice %arg6[%scan3A_80, %dma_wait3A] : memref<80x128xi32, #tpu.memory_space<vmem>> -> memref<1x128xi32, #tpu.memory_space<vmem>>
      %dma_wait3A_82 = tpu.memref_squeeze %dma_wait3A_81 : memref<1x128xi32, #tpu.memory_space<vmem>> -> memref<128xi32, #tpu.memory_space<vmem>>
      %dma_wait3A_83 = arith.constant 0 : i32
      %dma_wait3A_84 = tpu.memref_slice %arg8[%dma_wait3A_83] : memref<10112xf32, #tpu.memory_space<vmem_shared>> -> memref<10112xf32, #tpu.memory_space<vmem_shared>>
      tpu.wait_indirect_dma semaphore(%arg9 : memref<!tpu.dma_semaphore, #tpu.memory_space<semaphore_mem>>) src(%arg7 : memref<128xf32, #tpu.memory_space<vmem>>) dst(%dma_wait3A_84 : memref<10112xf32, #tpu.memory_space<vmem_shared>>)
    }
    %scan3A_73 = arith.constant 80 : i32
    %barrier3A_74 = arith.constant 0 : index
    tpu.barrier barrier_id(%barrier3A_74)
    %eq3A_75 = arith.constant 0 : i32
    %eq3A_76 = arith.cmpi eq, %arg1, %eq3A_75 : i32
    %convert_element_type3A_77 = arith.extui %eq3A_76 : i1 to i32
    %cond3A_78 = arith.constant 0 : i32
    %cond3A_79 = arith.cmpi ne, %convert_element_type3A_77, %cond3A_78 : i32
    scf.if %cond3A_79 {
      "tpu.region"() ({
        %run_scoped3A = tpu.sem_alloc : memref<!tpu.dma_semaphore, #tpu.memory_space<semaphore_mem>>
        %dma_start3A = arith.constant 0 : i32
        %dma_start3A_80 = tpu.memref_slice %arg5[%arg0, %dma_start3A] : memref<2x10112xf32, #tpu.memory_space<hbm>> -> memref<1x10112xf32, #tpu.memory_space<hbm>>
        %dma_start3A_81 = tpu.memref_squeeze %dma_start3A_80 : memref<1x10112xf32, #tpu.memory_space<hbm>> -> memref<10112xf32, #tpu.memory_space<hbm>>
        tpu.enqueue_dma source(%arg8 : memref<10112xf32, #tpu.memory_space<vmem_shared>>) target(%dma_start3A_81 : memref<10112xf32, #tpu.memory_space<hbm>>) target_semaphore(%run_scoped3A : memref<!tpu.dma_semaphore, #tpu.memory_space<semaphore_mem>>)
        %dma_wait3A = arith.constant 0 : i32
        %dma_wait3A_82 = tpu.memref_slice %arg5[%arg0, %dma_wait3A] : memref<2x10112xf32, #tpu.memory_space<hbm>> -> memref<1x10112xf32, #tpu.memory_space<hbm>>
        %dma_wait3A_83 = tpu.memref_squeeze %dma_wait3A_82 : memref<1x10112xf32, #tpu.memory_space<hbm>> -> memref<10112xf32, #tpu.memory_space<hbm>>
        tpu.wait_dma2 semaphore(%run_scoped3A : memref<!tpu.dma_semaphore, #tpu.memory_space<semaphore_mem>>) src(%arg8 : memref<10112xf32, #tpu.memory_space<vmem_shared>>) dst(%dma_wait3A_83 : memref<10112xf32, #tpu.memory_space<hbm>>)
        tpu.yield
      }) : () -> ()
    } else {
    }
    return
  }
}

#map = affine_map<(d0, d1) -> (0, 0)>
#map1 = affine_map<(d0, d1) -> (0)>
#map2 = affine_map<(d0, d1) -> (0, 0, 0)>
module attributes {stable_mosaic.version = 14 : i64} {
  func.func @_edge_body(%arg0: i32, %arg1: i32, %arg2: memref<2x320000xi32, #tpu.memory_space<hbm>>, %arg3: memref<7680xi32, #tpu.memory_space<hbm>>, %arg4: memref<10112x128xf32, #tpu.memory_space<hbm>>, %arg5: memref<10112xf32, #tpu.memory_space<hbm>>, %arg6: memref<10112x128xf32, #tpu.memory_space<hbm>>, %arg7: memref<10112xf32, #tpu.memory_space<hbm>>, %arg8: memref<2x10112x128xf32, #tpu.memory_space<hbm>>, %arg9: memref<2x10112xf32, #tpu.memory_space<hbm>>, %arg10: memref<40x128xi32, #tpu.memory_space<vmem>>, %arg11: memref<40x128xi32, #tpu.memory_space<vmem>>, %arg12: memref<128x128xf32, #tpu.memory_space<vmem>>, %arg13: memref<128x128xf32, #tpu.memory_space<vmem>>, %arg14: memref<128xf32, #tpu.memory_space<vmem>>, %arg15: memref<128xf32, #tpu.memory_space<vmem>>, %arg16: memref<10112x128xf32, #tpu.memory_space<vmem_shared>>, %arg17: memref<10112xf32, #tpu.memory_space<vmem_shared>>, %arg18: memref<10112xf32, #tpu.memory_space<vmem_shared>>, %arg19: memref<!tpu.dma_semaphore, #tpu.memory_space<semaphore_mem>>, %arg20: memref<!tpu.dma_semaphore, #tpu.memory_space<semaphore_mem>>, %arg21: memref<!tpu.dma_semaphore, #tpu.memory_space<semaphore_mem>>, %arg22: memref<!tpu.dma_semaphore, #tpu.memory_space<semaphore_mem>>, %arg23: memref<!tpu.dma_semaphore, #tpu.memory_space<semaphore_mem>>, %arg24: memref<!tpu.dma_semaphore, #tpu.memory_space<semaphore_mem>>) attributes {dimension_semantics = [#tpu.dimension_semantics<core_parallel>, #tpu.dimension_semantics<subcore_parallel>], iteration_bounds = array<i64: 2, 16>, scalar_prefetch = 0 : i64, scratch_operands = 15 : i64, tpu.core_type = #tpu.core_type<sc_vector_subcore>, window_params = [{transform_indices = #map}, {transform_indices = #map1}, {transform_indices = #map}, {transform_indices = #map1}, {transform_indices = #map}, {transform_indices = #map1}, {transform_indices = #map2}, {transform_indices = #map}]} {
    %mul3A = arith.constant 2 : i32
    %mul3A_0 = arith.muli %arg1, %mul3A : i32
    %add3A = arith.addi %mul3A_0, %arg0 : i32
    %mul3A_1 = arith.constant 80 : i32
    %mul3A_2 = arith.muli %add3A, %mul3A_1 : i32
    %mul3A_3 = arith.constant 632 : i32
    %mul3A_4 = arith.muli %arg1, %mul3A_3 : i32
    %mul3A_5 = arith.constant 632 : i32
    %mul3A_6 = arith.muli %arg1, %mul3A_5 : i32
    "tpu.region"() ({
      %run_scoped3A = tpu.sem_alloc : memref<!tpu.dma_semaphore, #tpu.memory_space<semaphore_mem>>
      %dma_start3A_109 = arith.constant 0 : i32
      %dma_start3A_110 = tpu.memref_slice %arg16[%mul3A_6, %dma_start3A_109] : memref<10112x128xf32, #tpu.memory_space<vmem_shared>> -> memref<632x128xf32, #tpu.memory_space<vmem_shared>>
      %dma_start3A_111 = arith.constant 0 : i32
      %dma_start3A_112 = tpu.memref_slice %arg6[%mul3A_4, %dma_start3A_111] : memref<10112x128xf32, #tpu.memory_space<hbm>> -> memref<632x128xf32, #tpu.memory_space<hbm>>
      tpu.enqueue_dma source(%dma_start3A_112 : memref<632x128xf32, #tpu.memory_space<hbm>>) target(%dma_start3A_110 : memref<632x128xf32, #tpu.memory_space<vmem_shared>>) target_semaphore(%run_scoped3A : memref<!tpu.dma_semaphore, #tpu.memory_space<semaphore_mem>>)
      %dma_wait3A = arith.constant 0 : i32
      %dma_wait3A_113 = tpu.memref_slice %arg16[%mul3A_6, %dma_wait3A] : memref<10112x128xf32, #tpu.memory_space<vmem_shared>> -> memref<632x128xf32, #tpu.memory_space<vmem_shared>>
      %dma_wait3A_114 = arith.constant 0 : i32
      %dma_wait3A_115 = tpu.memref_slice %arg6[%mul3A_4, %dma_wait3A_114] : memref<10112x128xf32, #tpu.memory_space<hbm>> -> memref<632x128xf32, #tpu.memory_space<hbm>>
      tpu.wait_dma2 semaphore(%run_scoped3A : memref<!tpu.dma_semaphore, #tpu.memory_space<semaphore_mem>>) src(%dma_wait3A_115 : memref<632x128xf32, #tpu.memory_space<hbm>>) dst(%dma_wait3A_113 : memref<632x128xf32, #tpu.memory_space<vmem_shared>>)
      tpu.yield
    }) : () -> ()
    %eq3A = arith.constant 0 : i32
    %eq3A_7 = arith.cmpi eq, %arg1, %eq3A : i32
    %convert_element_type3A = arith.extui %eq3A_7 : i1 to i32
    %cond3A = arith.constant 0 : i32
    %cond3A_8 = arith.cmpi ne, %convert_element_type3A, %cond3A : i32
    scf.if %cond3A_8 {
      "tpu.region"() ({
        %run_scoped3A = tpu.sem_alloc : memref<!tpu.dma_semaphore, #tpu.memory_space<semaphore_mem>>
        tpu.enqueue_dma source(%arg7 : memref<10112xf32, #tpu.memory_space<hbm>>) target(%arg17 : memref<10112xf32, #tpu.memory_space<vmem_shared>>) target_semaphore(%run_scoped3A : memref<!tpu.dma_semaphore, #tpu.memory_space<semaphore_mem>>)
        tpu.wait_dma2 semaphore(%run_scoped3A : memref<!tpu.dma_semaphore, #tpu.memory_space<semaphore_mem>>) src(%arg7 : memref<10112xf32, #tpu.memory_space<hbm>>) dst(%arg17 : memref<10112xf32, #tpu.memory_space<vmem_shared>>)
        tpu.yield
      }) : () -> ()
      "tpu.region"() ({
        %run_scoped3A = tpu.sem_alloc : memref<!tpu.dma_semaphore, #tpu.memory_space<semaphore_mem>>
        tpu.enqueue_dma source(%arg5 : memref<10112xf32, #tpu.memory_space<hbm>>) target(%arg18 : memref<10112xf32, #tpu.memory_space<vmem_shared>>) target_semaphore(%run_scoped3A : memref<!tpu.dma_semaphore, #tpu.memory_space<semaphore_mem>>)
        tpu.wait_dma2 semaphore(%run_scoped3A : memref<!tpu.dma_semaphore, #tpu.memory_space<semaphore_mem>>) src(%arg5 : memref<10112xf32, #tpu.memory_space<hbm>>) dst(%arg18 : memref<10112xf32, #tpu.memory_space<vmem_shared>>)
        tpu.yield
      }) : () -> ()
    } else {
    }
    %barrier3A = arith.constant 0 : index
    tpu.barrier barrier_id(%barrier3A)
    %add3A_9 = arith.constant 0 : i32
    %add3A_10 = arith.addi %mul3A_2, %add3A_9 : i32
    %scan3A = arith.constant 0 : i32
    %scan3A_11 = arith.constant 0 : i32
    %scan3A_12 = arith.constant 40 : i32
    %scan3A_13 = arith.addi %scan3A_11, %scan3A_12 : i32
    %scan3A_14 = arith.constant 1 : i32
    scf.for %scan3A_109 = %scan3A_11 to %scan3A_13 step %scan3A_14  : i32 {
      %add3A_110 = arith.addi %add3A_10, %scan3A_109 : i32
      %lt3A = arith.constant 2500 : i32
      %lt3A_111 = arith.cmpi slt, %add3A_110, %lt3A : i32
      %convert_element_type3A_112 = arith.extui %lt3A_111 : i1 to i32
      %cond3A_113 = arith.constant 0 : i32
      %cond3A_114 = arith.cmpi ne, %convert_element_type3A_112, %cond3A_113 : i32
      scf.if %cond3A_114 {
        %mul3A_119 = arith.constant 128 : i32
        %mul3A_120 = arith.muli %add3A_110, %mul3A_119 : i32
        %dma_start3A_121 = arith.constant 0 : i32
        %dma_start3A_122 = arith.constant 0 : i32
        %dma_start3A_123 = tpu.memref_slice %arg10[%scan3A_109, %dma_start3A_122] : memref<40x128xi32, #tpu.memory_space<vmem>> -> memref<1x128xi32, #tpu.memory_space<vmem>>
        %dma_start3A_124 = tpu.memref_squeeze %dma_start3A_123 : memref<1x128xi32, #tpu.memory_space<vmem>> -> memref<128xi32, #tpu.memory_space<vmem>>
        %dma_start3A_125 = tpu.memref_slice %arg2[%dma_start3A_121, %mul3A_120] : memref<2x320000xi32, #tpu.memory_space<hbm>> -> memref<1x128xi32, #tpu.memory_space<hbm>>
        %dma_start3A_126 = tpu.memref_squeeze %dma_start3A_125 : memref<1x128xi32, #tpu.memory_space<hbm>> -> memref<128xi32, #tpu.memory_space<hbm>>
        %dma_start3A_127 = arith.constant 0 : i32
        %dma_start3A_128 = tpu.memref_slice %arg10[%scan3A_109, %dma_start3A_127] : memref<40x128xi32, #tpu.memory_space<vmem>> -> memref<1x128xi32, #tpu.memory_space<vmem>>
        %dma_start3A_129 = tpu.memref_squeeze %dma_start3A_128 : memref<1x128xi32, #tpu.memory_space<vmem>> -> memref<128xi32, #tpu.memory_space<vmem>>
        %dma_start3A_130 = tpu.memref_slice %arg2[%dma_start3A_121, %mul3A_120] : memref<2x320000xi32, #tpu.memory_space<hbm>> -> memref<1x128xi32, #tpu.memory_space<hbm>>
        %dma_start3A_131 = tpu.memref_squeeze %dma_start3A_130 : memref<1x128xi32, #tpu.memory_space<hbm>> -> memref<128xi32, #tpu.memory_space<hbm>>
        tpu.enqueue_dma source(%dma_start3A_131 : memref<128xi32, #tpu.memory_space<hbm>>) target(%dma_start3A_129 : memref<128xi32, #tpu.memory_space<vmem>>) target_semaphore(%arg23 : memref<!tpu.dma_semaphore, #tpu.memory_space<semaphore_mem>>)
        %mul3A_132 = arith.constant 128 : i32
        %mul3A_133 = arith.muli %add3A_110, %mul3A_132 : i32
        %dma_start3A_134 = arith.constant 1 : i32
        %dma_start3A_135 = arith.constant 0 : i32
        %dma_start3A_136 = tpu.memref_slice %arg11[%scan3A_109, %dma_start3A_135] : memref<40x128xi32, #tpu.memory_space<vmem>> -> memref<1x128xi32, #tpu.memory_space<vmem>>
        %dma_start3A_137 = tpu.memref_squeeze %dma_start3A_136 : memref<1x128xi32, #tpu.memory_space<vmem>> -> memref<128xi32, #tpu.memory_space<vmem>>
        %dma_start3A_138 = tpu.memref_slice %arg2[%dma_start3A_134, %mul3A_133] : memref<2x320000xi32, #tpu.memory_space<hbm>> -> memref<1x128xi32, #tpu.memory_space<hbm>>
        %dma_start3A_139 = tpu.memref_squeeze %dma_start3A_138 : memref<1x128xi32, #tpu.memory_space<hbm>> -> memref<128xi32, #tpu.memory_space<hbm>>
        %dma_start3A_140 = arith.constant 0 : i32
        %dma_start3A_141 = tpu.memref_slice %arg11[%scan3A_109, %dma_start3A_140] : memref<40x128xi32, #tpu.memory_space<vmem>> -> memref<1x128xi32, #tpu.memory_space<vmem>>
        %dma_start3A_142 = tpu.memref_squeeze %dma_start3A_141 : memref<1x128xi32, #tpu.memory_space<vmem>> -> memref<128xi32, #tpu.memory_space<vmem>>
        %dma_start3A_143 = tpu.memref_slice %arg2[%dma_start3A_134, %mul3A_133] : memref<2x320000xi32, #tpu.memory_space<hbm>> -> memref<1x128xi32, #tpu.memory_space<hbm>>
        %dma_start3A_144 = tpu.memref_squeeze %dma_start3A_143 : memref<1x128xi32, #tpu.memory_space<hbm>> -> memref<128xi32, #tpu.memory_space<hbm>>
        tpu.enqueue_dma source(%dma_start3A_144 : memref<128xi32, #tpu.memory_space<hbm>>) target(%dma_start3A_142 : memref<128xi32, #tpu.memory_space<vmem>>) target_semaphore(%arg24 : memref<!tpu.dma_semaphore, #tpu.memory_space<semaphore_mem>>)
      } else {
      }
      %ge3A = arith.constant 2500 : i32
      %ge3A_115 = arith.cmpi sge, %add3A_110, %ge3A : i32
      %convert_element_type3A_116 = arith.extui %ge3A_115 : i1 to i32
      %cond3A_117 = arith.constant 0 : i32
      %cond3A_118 = arith.cmpi ne, %convert_element_type3A_116, %cond3A_117 : i32
      scf.if %cond3A_118 {
        %sub3A = arith.constant 2500 : i32
        %sub3A_119 = arith.subi %add3A_110, %sub3A : i32
        %mul3A_120 = arith.constant 128 : i32
        %mul3A_121 = arith.muli %sub3A_119, %mul3A_120 : i32
        %dma_start3A_122 = arith.constant 0 : i32
        %dma_start3A_123 = tpu.memref_slice %arg10[%scan3A_109, %dma_start3A_122] : memref<40x128xi32, #tpu.memory_space<vmem>> -> memref<1x128xi32, #tpu.memory_space<vmem>>
        %dma_start3A_124 = tpu.memref_squeeze %dma_start3A_123 : memref<1x128xi32, #tpu.memory_space<vmem>> -> memref<128xi32, #tpu.memory_space<vmem>>
        %dma_start3A_125 = tpu.memref_slice %arg3[%mul3A_121] : memref<7680xi32, #tpu.memory_space<hbm>> -> memref<128xi32, #tpu.memory_space<hbm>>
        %dma_start3A_126 = arith.constant 0 : i32
        %dma_start3A_127 = tpu.memref_slice %arg10[%scan3A_109, %dma_start3A_126] : memref<40x128xi32, #tpu.memory_space<vmem>> -> memref<1x128xi32, #tpu.memory_space<vmem>>
        %dma_start3A_128 = tpu.memref_squeeze %dma_start3A_127 : memref<1x128xi32, #tpu.memory_space<vmem>> -> memref<128xi32, #tpu.memory_space<vmem>>
        %dma_start3A_129 = tpu.memref_slice %arg3[%mul3A_121] : memref<7680xi32, #tpu.memory_space<hbm>> -> memref<128xi32, #tpu.memory_space<hbm>>
        tpu.enqueue_dma source(%dma_start3A_129 : memref<128xi32, #tpu.memory_space<hbm>>) target(%dma_start3A_128 : memref<128xi32, #tpu.memory_space<vmem>>) target_semaphore(%arg23 : memref<!tpu.dma_semaphore, #tpu.memory_space<semaphore_mem>>)
        %dma_start3A_130 = arith.constant 0 : i32
        %dma_start3A_131 = tpu.memref_slice %arg11[%scan3A_109, %dma_start3A_130] : memref<40x128xi32, #tpu.memory_space<vmem>> -> memref<1x128xi32, #tpu.memory_space<vmem>>
        %dma_start3A_132 = tpu.memref_squeeze %dma_start3A_131 : memref<1x128xi32, #tpu.memory_space<vmem>> -> memref<128xi32, #tpu.memory_space<vmem>>
        %dma_start3A_133 = tpu.memref_slice %arg3[%mul3A_121] : memref<7680xi32, #tpu.memory_space<hbm>> -> memref<128xi32, #tpu.memory_space<hbm>>
        %dma_start3A_134 = arith.constant 0 : i32
        %dma_start3A_135 = tpu.memref_slice %arg11[%scan3A_109, %dma_start3A_134] : memref<40x128xi32, #tpu.memory_space<vmem>> -> memref<1x128xi32, #tpu.memory_space<vmem>>
        %dma_start3A_136 = tpu.memref_squeeze %dma_start3A_135 : memref<1x128xi32, #tpu.memory_space<vmem>> -> memref<128xi32, #tpu.memory_space<vmem>>
        %dma_start3A_137 = tpu.memref_slice %arg3[%mul3A_121] : memref<7680xi32, #tpu.memory_space<hbm>> -> memref<128xi32, #tpu.memory_space<hbm>>
        tpu.enqueue_dma source(%dma_start3A_137 : memref<128xi32, #tpu.memory_space<hbm>>) target(%dma_start3A_136 : memref<128xi32, #tpu.memory_space<vmem>>) target_semaphore(%arg24 : memref<!tpu.dma_semaphore, #tpu.memory_space<semaphore_mem>>)
      } else {
      }
    }
    %scan3A_15 = arith.constant 40 : i32
    %scan3A_16 = arith.constant 0 : i32
    %scan3A_17 = arith.constant 0 : i32
    %scan3A_18 = arith.constant 40 : i32
    %scan3A_19 = arith.addi %scan3A_17, %scan3A_18 : i32
    %scan3A_20 = arith.constant 1 : i32
    scf.for %scan3A_109 = %scan3A_17 to %scan3A_19 step %scan3A_20  : i32 {
      %add3A_110 = arith.addi %add3A_10, %scan3A_109 : i32
      %lt3A = arith.constant 2500 : i32
      %lt3A_111 = arith.cmpi slt, %add3A_110, %lt3A : i32
      %convert_element_type3A_112 = arith.extui %lt3A_111 : i1 to i32
      %cond3A_113 = arith.constant 0 : i32
      %cond3A_114 = arith.cmpi ne, %convert_element_type3A_112, %cond3A_113 : i32
      scf.if %cond3A_114 {
        %mul3A_119 = arith.constant 128 : i32
        %mul3A_120 = arith.muli %add3A_110, %mul3A_119 : i32
        %dma_wait3A = arith.constant 0 : i32
        %dma_wait3A_121 = arith.constant 0 : i32
        %dma_wait3A_122 = tpu.memref_slice %arg10[%scan3A_109, %dma_wait3A_121] : memref<40x128xi32, #tpu.memory_space<vmem>> -> memref<1x128xi32, #tpu.memory_space<vmem>>
        %dma_wait3A_123 = tpu.memref_squeeze %dma_wait3A_122 : memref<1x128xi32, #tpu.memory_space<vmem>> -> memref<128xi32, #tpu.memory_space<vmem>>
        %dma_wait3A_124 = tpu.memref_slice %arg2[%dma_wait3A, %mul3A_120] : memref<2x320000xi32, #tpu.memory_space<hbm>> -> memref<1x128xi32, #tpu.memory_space<hbm>>
        %dma_wait3A_125 = tpu.memref_squeeze %dma_wait3A_124 : memref<1x128xi32, #tpu.memory_space<hbm>> -> memref<128xi32, #tpu.memory_space<hbm>>
        %dma_wait3A_126 = arith.constant 0 : i32
        %dma_wait3A_127 = tpu.memref_slice %arg10[%scan3A_109, %dma_wait3A_126] : memref<40x128xi32, #tpu.memory_space<vmem>> -> memref<1x128xi32, #tpu.memory_space<vmem>>
        %dma_wait3A_128 = tpu.memref_squeeze %dma_wait3A_127 : memref<1x128xi32, #tpu.memory_space<vmem>> -> memref<128xi32, #tpu.memory_space<vmem>>
        %dma_wait3A_129 = tpu.memref_slice %arg2[%dma_wait3A, %mul3A_120] : memref<2x320000xi32, #tpu.memory_space<hbm>> -> memref<1x128xi32, #tpu.memory_space<hbm>>
        %dma_wait3A_130 = tpu.memref_squeeze %dma_wait3A_129 : memref<1x128xi32, #tpu.memory_space<hbm>> -> memref<128xi32, #tpu.memory_space<hbm>>
        tpu.wait_dma2 semaphore(%arg23 : memref<!tpu.dma_semaphore, #tpu.memory_space<semaphore_mem>>) src(%dma_wait3A_130 : memref<128xi32, #tpu.memory_space<hbm>>) dst(%dma_wait3A_128 : memref<128xi32, #tpu.memory_space<vmem>>)
        %mul3A_131 = arith.constant 128 : i32
        %mul3A_132 = arith.muli %add3A_110, %mul3A_131 : i32
        %dma_wait3A_133 = arith.constant 1 : i32
        %dma_wait3A_134 = arith.constant 0 : i32
        %dma_wait3A_135 = tpu.memref_slice %arg11[%scan3A_109, %dma_wait3A_134] : memref<40x128xi32, #tpu.memory_space<vmem>> -> memref<1x128xi32, #tpu.memory_space<vmem>>
        %dma_wait3A_136 = tpu.memref_squeeze %dma_wait3A_135 : memref<1x128xi32, #tpu.memory_space<vmem>> -> memref<128xi32, #tpu.memory_space<vmem>>
        %dma_wait3A_137 = tpu.memref_slice %arg2[%dma_wait3A_133, %mul3A_132] : memref<2x320000xi32, #tpu.memory_space<hbm>> -> memref<1x128xi32, #tpu.memory_space<hbm>>
        %dma_wait3A_138 = tpu.memref_squeeze %dma_wait3A_137 : memref<1x128xi32, #tpu.memory_space<hbm>> -> memref<128xi32, #tpu.memory_space<hbm>>
        %dma_wait3A_139 = arith.constant 0 : i32
        %dma_wait3A_140 = tpu.memref_slice %arg11[%scan3A_109, %dma_wait3A_139] : memref<40x128xi32, #tpu.memory_space<vmem>> -> memref<1x128xi32, #tpu.memory_space<vmem>>
        %dma_wait3A_141 = tpu.memref_squeeze %dma_wait3A_140 : memref<1x128xi32, #tpu.memory_space<vmem>> -> memref<128xi32, #tpu.memory_space<vmem>>
        %dma_wait3A_142 = tpu.memref_slice %arg2[%dma_wait3A_133, %mul3A_132] : memref<2x320000xi32, #tpu.memory_space<hbm>> -> memref<1x128xi32, #tpu.memory_space<hbm>>
        %dma_wait3A_143 = tpu.memref_squeeze %dma_wait3A_142 : memref<1x128xi32, #tpu.memory_space<hbm>> -> memref<128xi32, #tpu.memory_space<hbm>>
        tpu.wait_dma2 semaphore(%arg24 : memref<!tpu.dma_semaphore, #tpu.memory_space<semaphore_mem>>) src(%dma_wait3A_143 : memref<128xi32, #tpu.memory_space<hbm>>) dst(%dma_wait3A_141 : memref<128xi32, #tpu.memory_space<vmem>>)
      } else {
      }
      %ge3A = arith.constant 2500 : i32
      %ge3A_115 = arith.cmpi sge, %add3A_110, %ge3A : i32
      %convert_element_type3A_116 = arith.extui %ge3A_115 : i1 to i32
      %cond3A_117 = arith.constant 0 : i32
      %cond3A_118 = arith.cmpi ne, %convert_element_type3A_116, %cond3A_117 : i32
      scf.if %cond3A_118 {
        %sub3A = arith.constant 2500 : i32
        %sub3A_119 = arith.subi %add3A_110, %sub3A : i32
        %mul3A_120 = arith.constant 128 : i32
        %mul3A_121 = arith.muli %sub3A_119, %mul3A_120 : i32
        %dma_wait3A = arith.constant 0 : i32
        %dma_wait3A_122 = tpu.memref_slice %arg10[%scan3A_109, %dma_wait3A] : memref<40x128xi32, #tpu.memory_space<vmem>> -> memref<1x128xi32, #tpu.memory_space<vmem>>
        %dma_wait3A_123 = tpu.memref_squeeze %dma_wait3A_122 : memref<1x128xi32, #tpu.memory_space<vmem>> -> memref<128xi32, #tpu.memory_space<vmem>>
        %dma_wait3A_124 = tpu.memref_slice %arg3[%mul3A_121] : memref<7680xi32, #tpu.memory_space<hbm>> -> memref<128xi32, #tpu.memory_space<hbm>>
        %dma_wait3A_125 = arith.constant 0 : i32
        %dma_wait3A_126 = tpu.memref_slice %arg10[%scan3A_109, %dma_wait3A_125] : memref<40x128xi32, #tpu.memory_space<vmem>> -> memref<1x128xi32, #tpu.memory_space<vmem>>
        %dma_wait3A_127 = tpu.memref_squeeze %dma_wait3A_126 : memref<1x128xi32, #tpu.memory_space<vmem>> -> memref<128xi32, #tpu.memory_space<vmem>>
        %dma_wait3A_128 = tpu.memref_slice %arg3[%mul3A_121] : memref<7680xi32, #tpu.memory_space<hbm>> -> memref<128xi32, #tpu.memory_space<hbm>>
        tpu.wait_dma2 semaphore(%arg23 : memref<!tpu.dma_semaphore, #tpu.memory_space<semaphore_mem>>) src(%dma_wait3A_128 : memref<128xi32, #tpu.memory_space<hbm>>) dst(%dma_wait3A_127 : memref<128xi32, #tpu.memory_space<vmem>>)
        %dma_wait3A_129 = arith.constant 0 : i32
        %dma_wait3A_130 = tpu.memref_slice %arg11[%scan3A_109, %dma_wait3A_129] : memref<40x128xi32, #tpu.memory_space<vmem>> -> memref<1x128xi32, #tpu.memory_space<vmem>>
        %dma_wait3A_131 = tpu.memref_squeeze %dma_wait3A_130 : memref<1x128xi32, #tpu.memory_space<vmem>> -> memref<128xi32, #tpu.memory_space<vmem>>
        %dma_wait3A_132 = tpu.memref_slice %arg3[%mul3A_121] : memref<7680xi32, #tpu.memory_space<hbm>> -> memref<128xi32, #tpu.memory_space<hbm>>
        %dma_wait3A_133 = arith.constant 0 : i32
        %dma_wait3A_134 = tpu.memref_slice %arg11[%scan3A_109, %dma_wait3A_133] : memref<40x128xi32, #tpu.memory_space<vmem>> -> memref<1x128xi32, #tpu.memory_space<vmem>>
        %dma_wait3A_135 = tpu.memref_squeeze %dma_wait3A_134 : memref<1x128xi32, #tpu.memory_space<vmem>> -> memref<128xi32, #tpu.memory_space<vmem>>
        %dma_wait3A_136 = tpu.memref_slice %arg3[%mul3A_121] : memref<7680xi32, #tpu.memory_space<hbm>> -> memref<128xi32, #tpu.memory_space<hbm>>
        tpu.wait_dma2 semaphore(%arg24 : memref<!tpu.dma_semaphore, #tpu.memory_space<semaphore_mem>>) src(%dma_wait3A_136 : memref<128xi32, #tpu.memory_space<hbm>>) dst(%dma_wait3A_135 : memref<128xi32, #tpu.memory_space<vmem>>)
      } else {
      }
    }
    %scan3A_21 = arith.constant 40 : i32
    %dma_start3A = arith.constant 0 : i32
    %dma_start3A_22 = arith.constant 0 : i32
    %dma_start3A_23 = tpu.memref_slice %arg10[%dma_start3A, %dma_start3A_22] : memref<40x128xi32, #tpu.memory_space<vmem>> -> memref<1x128xi32, #tpu.memory_space<vmem>>
    %dma_start3A_24 = tpu.memref_squeeze %dma_start3A_23 : memref<1x128xi32, #tpu.memory_space<vmem>> -> memref<128xi32, #tpu.memory_space<vmem>>
    %dma_start3A_25 = arith.constant 0 : i32
    %dma_start3A_26 = arith.constant 0 : i32
    %dma_start3A_27 = tpu.memref_slice %arg4[%dma_start3A_25, %dma_start3A_26] : memref<10112x128xf32, #tpu.memory_space<hbm>> -> memref<10112x128xf32, #tpu.memory_space<hbm>>
    tpu.enqueue_indirect_dma source(%dma_start3A_27 : memref<10112x128xf32, #tpu.memory_space<hbm>>) target(%arg12 : memref<128x128xf32, #tpu.memory_space<vmem>>) offsets(%dma_start3A_24 : memref<128xi32, #tpu.memory_space<vmem>>) semaphore(%arg19 : memref<!tpu.dma_semaphore, #tpu.memory_space<semaphore_mem>>)
    %dma_start3A_28 = arith.constant 1 : i32
    %dma_start3A_29 = arith.constant 0 : i32
    %dma_start3A_30 = tpu.memref_slice %arg10[%dma_start3A_28, %dma_start3A_29] : memref<40x128xi32, #tpu.memory_space<vmem>> -> memref<1x128xi32, #tpu.memory_space<vmem>>
    %dma_start3A_31 = tpu.memref_squeeze %dma_start3A_30 : memref<1x128xi32, #tpu.memory_space<vmem>> -> memref<128xi32, #tpu.memory_space<vmem>>
    %dma_start3A_32 = arith.constant 0 : i32
    %dma_start3A_33 = arith.constant 0 : i32
    %dma_start3A_34 = tpu.memref_slice %arg4[%dma_start3A_32, %dma_start3A_33] : memref<10112x128xf32, #tpu.memory_space<hbm>> -> memref<10112x128xf32, #tpu.memory_space<hbm>>
    tpu.enqueue_indirect_dma source(%dma_start3A_34 : memref<10112x128xf32, #tpu.memory_space<hbm>>) target(%arg13 : memref<128x128xf32, #tpu.memory_space<vmem>>) offsets(%dma_start3A_31 : memref<128xi32, #tpu.memory_space<vmem>>) semaphore(%arg20 : memref<!tpu.dma_semaphore, #tpu.memory_space<semaphore_mem>>)
    %dma_start3A_35 = arith.constant 0 : i32
    %dma_start3A_36 = arith.constant 0 : i32
    %dma_start3A_37 = tpu.memref_slice %arg11[%dma_start3A_35, %dma_start3A_36] : memref<40x128xi32, #tpu.memory_space<vmem>> -> memref<1x128xi32, #tpu.memory_space<vmem>>
    %dma_start3A_38 = tpu.memref_squeeze %dma_start3A_37 : memref<1x128xi32, #tpu.memory_space<vmem>> -> memref<128xi32, #tpu.memory_space<vmem>>
    %dma_start3A_39 = arith.constant 0 : i32
    %dma_start3A_40 = tpu.memref_slice %arg18[%dma_start3A_39] : memref<10112xf32, #tpu.memory_space<vmem_shared>> -> memref<10112xf32, #tpu.memory_space<vmem_shared>>
    tpu.enqueue_indirect_dma source(%dma_start3A_40 : memref<10112xf32, #tpu.memory_space<vmem_shared>>) target(%arg14 : memref<128xf32, #tpu.memory_space<vmem>>) offsets(%dma_start3A_38 : memref<128xi32, #tpu.memory_space<vmem>>) semaphore(%arg21 : memref<!tpu.dma_semaphore, #tpu.memory_space<semaphore_mem>>)
    %dma_start3A_41 = arith.constant 1 : i32
    %dma_start3A_42 = arith.constant 0 : i32
    %dma_start3A_43 = tpu.memref_slice %arg11[%dma_start3A_41, %dma_start3A_42] : memref<40x128xi32, #tpu.memory_space<vmem>> -> memref<1x128xi32, #tpu.memory_space<vmem>>
    %dma_start3A_44 = tpu.memref_squeeze %dma_start3A_43 : memref<1x128xi32, #tpu.memory_space<vmem>> -> memref<128xi32, #tpu.memory_space<vmem>>
    %dma_start3A_45 = arith.constant 0 : i32
    %dma_start3A_46 = tpu.memref_slice %arg18[%dma_start3A_45] : memref<10112xf32, #tpu.memory_space<vmem_shared>> -> memref<10112xf32, #tpu.memory_space<vmem_shared>>
    tpu.enqueue_indirect_dma source(%dma_start3A_46 : memref<10112xf32, #tpu.memory_space<vmem_shared>>) target(%arg15 : memref<128xf32, #tpu.memory_space<vmem>>) offsets(%dma_start3A_44 : memref<128xi32, #tpu.memory_space<vmem>>) semaphore(%arg22 : memref<!tpu.dma_semaphore, #tpu.memory_space<semaphore_mem>>)
    %scan3A_47 = arith.constant 0 : i32
    %scan3A_48 = arith.constant 0 : i32
    %scan3A_49 = arith.constant 20 : i32
    %scan3A_50 = arith.addi %scan3A_48, %scan3A_49 : i32
    %scan3A_51 = arith.constant 1 : i32
    scf.for %scan3A_109 = %scan3A_48 to %scan3A_50 step %scan3A_51  : i32 {
      %mul3A_110 = arith.constant 2 : i32
      %mul3A_111 = arith.muli %mul3A_110, %scan3A_109 : i32
      %add3A_112 = arith.constant 2 : i32
      %add3A_113 = arith.addi %mul3A_111, %add3A_112 : i32
      %dma_wait3A = arith.constant 0 : i32
      %dma_wait3A_114 = tpu.memref_slice %arg10[%mul3A_111, %dma_wait3A] : memref<40x128xi32, #tpu.memory_space<vmem>> -> memref<1x128xi32, #tpu.memory_space<vmem>>
      %dma_wait3A_115 = tpu.memref_squeeze %dma_wait3A_114 : memref<1x128xi32, #tpu.memory_space<vmem>> -> memref<128xi32, #tpu.memory_space<vmem>>
      %dma_wait3A_116 = arith.constant 0 : i32
      %dma_wait3A_117 = arith.constant 0 : i32
      %dma_wait3A_118 = tpu.memref_slice %arg4[%dma_wait3A_116, %dma_wait3A_117] : memref<10112x128xf32, #tpu.memory_space<hbm>> -> memref<10112x128xf32, #tpu.memory_space<hbm>>
      tpu.wait_indirect_dma semaphore(%arg19 : memref<!tpu.dma_semaphore, #tpu.memory_space<semaphore_mem>>) src(%dma_wait3A_118 : memref<10112x128xf32, #tpu.memory_space<hbm>>) dst(%arg12 : memref<128x128xf32, #tpu.memory_space<vmem>>)
      %lt3A = arith.constant 40 : i32
      %lt3A_119 = arith.cmpi slt, %add3A_113, %lt3A : i32
      %convert_element_type3A_120 = arith.extui %lt3A_119 : i1 to i32
      %cond3A_121 = arith.constant 0 : i32
      %cond3A_122 = arith.cmpi ne, %convert_element_type3A_120, %cond3A_121 : i32
      scf.if %cond3A_122 {
        %dma_start3A_158 = arith.constant 0 : i32
        %dma_start3A_159 = tpu.memref_slice %arg10[%add3A_113, %dma_start3A_158] : memref<40x128xi32, #tpu.memory_space<vmem>> -> memref<1x128xi32, #tpu.memory_space<vmem>>
        %dma_start3A_160 = tpu.memref_squeeze %dma_start3A_159 : memref<1x128xi32, #tpu.memory_space<vmem>> -> memref<128xi32, #tpu.memory_space<vmem>>
        %dma_start3A_161 = arith.constant 0 : i32
        %dma_start3A_162 = arith.constant 0 : i32
        %dma_start3A_163 = tpu.memref_slice %arg4[%dma_start3A_161, %dma_start3A_162] : memref<10112x128xf32, #tpu.memory_space<hbm>> -> memref<10112x128xf32, #tpu.memory_space<hbm>>
        tpu.enqueue_indirect_dma source(%dma_start3A_163 : memref<10112x128xf32, #tpu.memory_space<hbm>>) target(%arg12 : memref<128x128xf32, #tpu.memory_space<vmem>>) offsets(%dma_start3A_160 : memref<128xi32, #tpu.memory_space<vmem>>) semaphore(%arg19 : memref<!tpu.dma_semaphore, #tpu.memory_space<semaphore_mem>>)
      } else {
      }
      "tpu.region"() ({
        %run_scoped3A = tpu.sem_alloc : memref<!tpu.dma_semaphore, #tpu.memory_space<semaphore_mem>>
        %dma_start3A_158 = arith.constant 0 : i32
        %dma_start3A_159 = tpu.memref_slice %arg11[%mul3A_111, %dma_start3A_158] : memref<40x128xi32, #tpu.memory_space<vmem>> -> memref<1x128xi32, #tpu.memory_space<vmem>>
        %dma_start3A_160 = tpu.memref_squeeze %dma_start3A_159 : memref<1x128xi32, #tpu.memory_space<vmem>> -> memref<128xi32, #tpu.memory_space<vmem>>
        %dma_start3A_161 = arith.constant 0 : i32
        %dma_start3A_162 = arith.constant 0 : i32
        %dma_start3A_163 = tpu.memref_slice %arg16[%dma_start3A_161, %dma_start3A_162] : memref<10112x128xf32, #tpu.memory_space<vmem_shared>> -> memref<10112x128xf32, #tpu.memory_space<vmem_shared>>
        tpu.enqueue_indirect_dma source(%arg12 : memref<128x128xf32, #tpu.memory_space<vmem>>) target(%dma_start3A_163 : memref<10112x128xf32, #tpu.memory_space<vmem_shared>>) offsets(%dma_start3A_160 : memref<128xi32, #tpu.memory_space<vmem>>) semaphore(%run_scoped3A : memref<!tpu.dma_semaphore, #tpu.memory_space<semaphore_mem>>) {add = true}
        %dma_wait3A_164 = arith.constant 0 : i32
        %dma_wait3A_165 = tpu.memref_slice %arg11[%mul3A_111, %dma_wait3A_164] : memref<40x128xi32, #tpu.memory_space<vmem>> -> memref<1x128xi32, #tpu.memory_space<vmem>>
        %dma_wait3A_166 = tpu.memref_squeeze %dma_wait3A_165 : memref<1x128xi32, #tpu.memory_space<vmem>> -> memref<128xi32, #tpu.memory_space<vmem>>
        %dma_wait3A_167 = arith.constant 0 : i32
        %dma_wait3A_168 = arith.constant 0 : i32
        %dma_wait3A_169 = tpu.memref_slice %arg16[%dma_wait3A_167, %dma_wait3A_168] : memref<10112x128xf32, #tpu.memory_space<vmem_shared>> -> memref<10112x128xf32, #tpu.memory_space<vmem_shared>>
        tpu.wait_indirect_dma semaphore(%run_scoped3A : memref<!tpu.dma_semaphore, #tpu.memory_space<semaphore_mem>>) src(%arg12 : memref<128x128xf32, #tpu.memory_space<vmem>>) dst(%dma_wait3A_169 : memref<10112x128xf32, #tpu.memory_space<vmem_shared>>)
        tpu.yield
      }) : () -> ()
      %dma_wait3A_123 = arith.constant 0 : i32
      %dma_wait3A_124 = tpu.memref_slice %arg11[%mul3A_111, %dma_wait3A_123] : memref<40x128xi32, #tpu.memory_space<vmem>> -> memref<1x128xi32, #tpu.memory_space<vmem>>
      %dma_wait3A_125 = tpu.memref_squeeze %dma_wait3A_124 : memref<1x128xi32, #tpu.memory_space<vmem>> -> memref<128xi32, #tpu.memory_space<vmem>>
      %dma_wait3A_126 = arith.constant 0 : i32
      %dma_wait3A_127 = tpu.memref_slice %arg18[%dma_wait3A_126] : memref<10112xf32, #tpu.memory_space<vmem_shared>> -> memref<10112xf32, #tpu.memory_space<vmem_shared>>
      tpu.wait_indirect_dma semaphore(%arg21 : memref<!tpu.dma_semaphore, #tpu.memory_space<semaphore_mem>>) src(%dma_wait3A_127 : memref<10112xf32, #tpu.memory_space<vmem_shared>>) dst(%arg14 : memref<128xf32, #tpu.memory_space<vmem>>)
      %lt3A_128 = arith.constant 40 : i32
      %lt3A_129 = arith.cmpi slt, %add3A_113, %lt3A_128 : i32
      %convert_element_type3A_130 = arith.extui %lt3A_129 : i1 to i32
      %cond3A_131 = arith.constant 0 : i32
      %cond3A_132 = arith.cmpi ne, %convert_element_type3A_130, %cond3A_131 : i32
      scf.if %cond3A_132 {
        %dma_start3A_158 = arith.constant 0 : i32
        %dma_start3A_159 = tpu.memref_slice %arg11[%add3A_113, %dma_start3A_158] : memref<40x128xi32, #tpu.memory_space<vmem>> -> memref<1x128xi32, #tpu.memory_space<vmem>>
        %dma_start3A_160 = tpu.memref_squeeze %dma_start3A_159 : memref<1x128xi32, #tpu.memory_space<vmem>> -> memref<128xi32, #tpu.memory_space<vmem>>
        %dma_start3A_161 = arith.constant 0 : i32
        %dma_start3A_162 = tpu.memref_slice %arg18[%dma_start3A_161] : memref<10112xf32, #tpu.memory_space<vmem_shared>> -> memref<10112xf32, #tpu.memory_space<vmem_shared>>
        tpu.enqueue_indirect_dma source(%dma_start3A_162 : memref<10112xf32, #tpu.memory_space<vmem_shared>>) target(%arg14 : memref<128xf32, #tpu.memory_space<vmem>>) offsets(%dma_start3A_160 : memref<128xi32, #tpu.memory_space<vmem>>) semaphore(%arg21 : memref<!tpu.dma_semaphore, #tpu.memory_space<semaphore_mem>>)
      } else {
      }
      "tpu.region"() ({
        %run_scoped3A = tpu.sem_alloc : memref<!tpu.dma_semaphore, #tpu.memory_space<semaphore_mem>>
        %dma_start3A_158 = arith.constant 0 : i32
        %dma_start3A_159 = tpu.memref_slice %arg10[%mul3A_111, %dma_start3A_158] : memref<40x128xi32, #tpu.memory_space<vmem>> -> memref<1x128xi32, #tpu.memory_space<vmem>>
        %dma_start3A_160 = tpu.memref_squeeze %dma_start3A_159 : memref<1x128xi32, #tpu.memory_space<vmem>> -> memref<128xi32, #tpu.memory_space<vmem>>
        %dma_start3A_161 = arith.constant 0 : i32
        %dma_start3A_162 = tpu.memref_slice %arg17[%dma_start3A_161] : memref<10112xf32, #tpu.memory_space<vmem_shared>> -> memref<10112xf32, #tpu.memory_space<vmem_shared>>
        tpu.enqueue_indirect_dma source(%arg14 : memref<128xf32, #tpu.memory_space<vmem>>) target(%dma_start3A_162 : memref<10112xf32, #tpu.memory_space<vmem_shared>>) offsets(%dma_start3A_160 : memref<128xi32, #tpu.memory_space<vmem>>) semaphore(%run_scoped3A : memref<!tpu.dma_semaphore, #tpu.memory_space<semaphore_mem>>) {add = true}
        %dma_wait3A_163 = arith.constant 0 : i32
        %dma_wait3A_164 = tpu.memref_slice %arg10[%mul3A_111, %dma_wait3A_163] : memref<40x128xi32, #tpu.memory_space<vmem>> -> memref<1x128xi32, #tpu.memory_space<vmem>>
        %dma_wait3A_165 = tpu.memref_squeeze %dma_wait3A_164 : memref<1x128xi32, #tpu.memory_space<vmem>> -> memref<128xi32, #tpu.memory_space<vmem>>
        %dma_wait3A_166 = arith.constant 0 : i32
        %dma_wait3A_167 = tpu.memref_slice %arg17[%dma_wait3A_166] : memref<10112xf32, #tpu.memory_space<vmem_shared>> -> memref<10112xf32, #tpu.memory_space<vmem_shared>>
        tpu.wait_indirect_dma semaphore(%run_scoped3A : memref<!tpu.dma_semaphore, #tpu.memory_space<semaphore_mem>>) src(%arg14 : memref<128xf32, #tpu.memory_space<vmem>>) dst(%dma_wait3A_167 : memref<10112xf32, #tpu.memory_space<vmem_shared>>)
        tpu.yield
      }) : () -> ()
      %add3A_133 = arith.constant 1 : i32
      %add3A_134 = arith.addi %mul3A_111, %add3A_133 : i32
      %add3A_135 = arith.constant 3 : i32
      %add3A_136 = arith.addi %mul3A_111, %add3A_135 : i32
      %dma_wait3A_137 = arith.constant 0 : i32
      %dma_wait3A_138 = tpu.memref_slice %arg10[%add3A_134, %dma_wait3A_137] : memref<40x128xi32, #tpu.memory_space<vmem>> -> memref<1x128xi32, #tpu.memory_space<vmem>>
      %dma_wait3A_139 = tpu.memref_squeeze %dma_wait3A_138 : memref<1x128xi32, #tpu.memory_space<vmem>> -> memref<128xi32, #tpu.memory_space<vmem>>
      %dma_wait3A_140 = arith.constant 0 : i32
      %dma_wait3A_141 = arith.constant 0 : i32
      %dma_wait3A_142 = tpu.memref_slice %arg4[%dma_wait3A_140, %dma_wait3A_141] : memref<10112x128xf32, #tpu.memory_space<hbm>> -> memref<10112x128xf32, #tpu.memory_space<hbm>>
      tpu.wait_indirect_dma semaphore(%arg20 : memref<!tpu.dma_semaphore, #tpu.memory_space<semaphore_mem>>) src(%dma_wait3A_142 : memref<10112x128xf32, #tpu.memory_space<hbm>>) dst(%arg13 : memref<128x128xf32, #tpu.memory_space<vmem>>)
      %lt3A_143 = arith.constant 40 : i32
      %lt3A_144 = arith.cmpi slt, %add3A_136, %lt3A_143 : i32
      %convert_element_type3A_145 = arith.extui %lt3A_144 : i1 to i32
      %cond3A_146 = arith.constant 0 : i32
      %cond3A_147 = arith.cmpi ne, %convert_element_type3A_145, %cond3A_146 : i32
      scf.if %cond3A_147 {
        %dma_start3A_158 = arith.constant 0 : i32
        %dma_start3A_159 = tpu.memref_slice %arg10[%add3A_136, %dma_start3A_158] : memref<40x128xi32, #tpu.memory_space<vmem>> -> memref<1x128xi32, #tpu.memory_space<vmem>>
        %dma_start3A_160 = tpu.memref_squeeze %dma_start3A_159 : memref<1x128xi32, #tpu.memory_space<vmem>> -> memref<128xi32, #tpu.memory_space<vmem>>
        %dma_start3A_161 = arith.constant 0 : i32
        %dma_start3A_162 = arith.constant 0 : i32
        %dma_start3A_163 = tpu.memref_slice %arg4[%dma_start3A_161, %dma_start3A_162] : memref<10112x128xf32, #tpu.memory_space<hbm>> -> memref<10112x128xf32, #tpu.memory_space<hbm>>
        tpu.enqueue_indirect_dma source(%dma_start3A_163 : memref<10112x128xf32, #tpu.memory_space<hbm>>) target(%arg13 : memref<128x128xf32, #tpu.memory_space<vmem>>) offsets(%dma_start3A_160 : memref<128xi32, #tpu.memory_space<vmem>>) semaphore(%arg20 : memref<!tpu.dma_semaphore, #tpu.memory_space<semaphore_mem>>)
      } else {
      }
      "tpu.region"() ({
        %run_scoped3A = tpu.sem_alloc : memref<!tpu.dma_semaphore, #tpu.memory_space<semaphore_mem>>
        %dma_start3A_158 = arith.constant 0 : i32
        %dma_start3A_159 = tpu.memref_slice %arg11[%add3A_134, %dma_start3A_158] : memref<40x128xi32, #tpu.memory_space<vmem>> -> memref<1x128xi32, #tpu.memory_space<vmem>>
        %dma_start3A_160 = tpu.memref_squeeze %dma_start3A_159 : memref<1x128xi32, #tpu.memory_space<vmem>> -> memref<128xi32, #tpu.memory_space<vmem>>
        %dma_start3A_161 = arith.constant 0 : i32
        %dma_start3A_162 = arith.constant 0 : i32
        %dma_start3A_163 = tpu.memref_slice %arg16[%dma_start3A_161, %dma_start3A_162] : memref<10112x128xf32, #tpu.memory_space<vmem_shared>> -> memref<10112x128xf32, #tpu.memory_space<vmem_shared>>
        tpu.enqueue_indirect_dma source(%arg13 : memref<128x128xf32, #tpu.memory_space<vmem>>) target(%dma_start3A_163 : memref<10112x128xf32, #tpu.memory_space<vmem_shared>>) offsets(%dma_start3A_160 : memref<128xi32, #tpu.memory_space<vmem>>) semaphore(%run_scoped3A : memref<!tpu.dma_semaphore, #tpu.memory_space<semaphore_mem>>) {add = true}
        %dma_wait3A_164 = arith.constant 0 : i32
        %dma_wait3A_165 = tpu.memref_slice %arg11[%add3A_134, %dma_wait3A_164] : memref<40x128xi32, #tpu.memory_space<vmem>> -> memref<1x128xi32, #tpu.memory_space<vmem>>
        %dma_wait3A_166 = tpu.memref_squeeze %dma_wait3A_165 : memref<1x128xi32, #tpu.memory_space<vmem>> -> memref<128xi32, #tpu.memory_space<vmem>>
        %dma_wait3A_167 = arith.constant 0 : i32
        %dma_wait3A_168 = arith.constant 0 : i32
        %dma_wait3A_169 = tpu.memref_slice %arg16[%dma_wait3A_167, %dma_wait3A_168] : memref<10112x128xf32, #tpu.memory_space<vmem_shared>> -> memref<10112x128xf32, #tpu.memory_space<vmem_shared>>
        tpu.wait_indirect_dma semaphore(%run_scoped3A : memref<!tpu.dma_semaphore, #tpu.memory_space<semaphore_mem>>) src(%arg13 : memref<128x128xf32, #tpu.memory_space<vmem>>) dst(%dma_wait3A_169 : memref<10112x128xf32, #tpu.memory_space<vmem_shared>>)
        tpu.yield
      }) : () -> ()
      %dma_wait3A_148 = arith.constant 0 : i32
      %dma_wait3A_149 = tpu.memref_slice %arg11[%add3A_134, %dma_wait3A_148] : memref<40x128xi32, #tpu.memory_space<vmem>> -> memref<1x128xi32, #tpu.memory_space<vmem>>
      %dma_wait3A_150 = tpu.memref_squeeze %dma_wait3A_149 : memref<1x128xi32, #tpu.memory_space<vmem>> -> memref<128xi32, #tpu.memory_space<vmem>>
      %dma_wait3A_151 = arith.constant 0 : i32
      %dma_wait3A_152 = tpu.memref_slice %arg18[%dma_wait3A_151] : memref<10112xf32, #tpu.memory_space<vmem_shared>> -> memref<10112xf32, #tpu.memory_space<vmem_shared>>
      tpu.wait_indirect_dma semaphore(%arg22 : memref<!tpu.dma_semaphore, #tpu.memory_space<semaphore_mem>>) src(%dma_wait3A_152 : memref<10112xf32, #tpu.memory_space<vmem_shared>>) dst(%arg15 : memref<128xf32, #tpu.memory_space<vmem>>)
      %lt3A_153 = arith.constant 40 : i32
      %lt3A_154 = arith.cmpi slt, %add3A_136, %lt3A_153 : i32
      %convert_element_type3A_155 = arith.extui %lt3A_154 : i1 to i32
      %cond3A_156 = arith.constant 0 : i32
      %cond3A_157 = arith.cmpi ne, %convert_element_type3A_155, %cond3A_156 : i32
      scf.if %cond3A_157 {
        %dma_start3A_158 = arith.constant 0 : i32
        %dma_start3A_159 = tpu.memref_slice %arg11[%add3A_136, %dma_start3A_158] : memref<40x128xi32, #tpu.memory_space<vmem>> -> memref<1x128xi32, #tpu.memory_space<vmem>>
        %dma_start3A_160 = tpu.memref_squeeze %dma_start3A_159 : memref<1x128xi32, #tpu.memory_space<vmem>> -> memref<128xi32, #tpu.memory_space<vmem>>
        %dma_start3A_161 = arith.constant 0 : i32
        %dma_start3A_162 = tpu.memref_slice %arg18[%dma_start3A_161] : memref<10112xf32, #tpu.memory_space<vmem_shared>> -> memref<10112xf32, #tpu.memory_space<vmem_shared>>
        tpu.enqueue_indirect_dma source(%dma_start3A_162 : memref<10112xf32, #tpu.memory_space<vmem_shared>>) target(%arg15 : memref<128xf32, #tpu.memory_space<vmem>>) offsets(%dma_start3A_160 : memref<128xi32, #tpu.memory_space<vmem>>) semaphore(%arg22 : memref<!tpu.dma_semaphore, #tpu.memory_space<semaphore_mem>>)
      } else {
      }
      "tpu.region"() ({
        %run_scoped3A = tpu.sem_alloc : memref<!tpu.dma_semaphore, #tpu.memory_space<semaphore_mem>>
        %dma_start3A_158 = arith.constant 0 : i32
        %dma_start3A_159 = tpu.memref_slice %arg10[%add3A_134, %dma_start3A_158] : memref<40x128xi32, #tpu.memory_space<vmem>> -> memref<1x128xi32, #tpu.memory_space<vmem>>
        %dma_start3A_160 = tpu.memref_squeeze %dma_start3A_159 : memref<1x128xi32, #tpu.memory_space<vmem>> -> memref<128xi32, #tpu.memory_space<vmem>>
        %dma_start3A_161 = arith.constant 0 : i32
        %dma_start3A_162 = tpu.memref_slice %arg17[%dma_start3A_161] : memref<10112xf32, #tpu.memory_space<vmem_shared>> -> memref<10112xf32, #tpu.memory_space<vmem_shared>>
        tpu.enqueue_indirect_dma source(%arg15 : memref<128xf32, #tpu.memory_space<vmem>>) target(%dma_start3A_162 : memref<10112xf32, #tpu.memory_space<vmem_shared>>) offsets(%dma_start3A_160 : memref<128xi32, #tpu.memory_space<vmem>>) semaphore(%run_scoped3A : memref<!tpu.dma_semaphore, #tpu.memory_space<semaphore_mem>>) {add = true}
        %dma_wait3A_163 = arith.constant 0 : i32
        %dma_wait3A_164 = tpu.memref_slice %arg10[%add3A_134, %dma_wait3A_163] : memref<40x128xi32, #tpu.memory_space<vmem>> -> memref<1x128xi32, #tpu.memory_space<vmem>>
        %dma_wait3A_165 = tpu.memref_squeeze %dma_wait3A_164 : memref<1x128xi32, #tpu.memory_space<vmem>> -> memref<128xi32, #tpu.memory_space<vmem>>
        %dma_wait3A_166 = arith.constant 0 : i32
        %dma_wait3A_167 = tpu.memref_slice %arg17[%dma_wait3A_166] : memref<10112xf32, #tpu.memory_space<vmem_shared>> -> memref<10112xf32, #tpu.memory_space<vmem_shared>>
        tpu.wait_indirect_dma semaphore(%run_scoped3A : memref<!tpu.dma_semaphore, #tpu.memory_space<semaphore_mem>>) src(%arg15 : memref<128xf32, #tpu.memory_space<vmem>>) dst(%dma_wait3A_167 : memref<10112xf32, #tpu.memory_space<vmem_shared>>)
        tpu.yield
      }) : () -> ()
    }
    %scan3A_52 = arith.constant 20 : i32
    %add3A_53 = arith.constant 40 : i32
    %add3A_54 = arith.addi %mul3A_2, %add3A_53 : i32
    %scan3A_55 = arith.constant 0 : i32
    %scan3A_56 = arith.constant 0 : i32
    %scan3A_57 = arith.constant 40 : i32
    %scan3A_58 = arith.addi %scan3A_56, %scan3A_57 : i32
    %scan3A_59 = arith.constant 1 : i32
    scf.for %scan3A_109 = %scan3A_56 to %scan3A_58 step %scan3A_59  : i32 {
      %add3A_110 = arith.addi %add3A_54, %scan3A_109 : i32
      %lt3A = arith.constant 2500 : i32
      %lt3A_111 = arith.cmpi slt, %add3A_110, %lt3A : i32
      %convert_element_type3A_112 = arith.extui %lt3A_111 : i1 to i32
      %cond3A_113 = arith.constant 0 : i32
      %cond3A_114 = arith.cmpi ne, %convert_element_type3A_112, %cond3A_113 : i32
      scf.if %cond3A_114 {
        %mul3A_119 = arith.constant 128 : i32
        %mul3A_120 = arith.muli %add3A_110, %mul3A_119 : i32
        %dma_start3A_121 = arith.constant 0 : i32
        %dma_start3A_122 = arith.constant 0 : i32
        %dma_start3A_123 = tpu.memref_slice %arg10[%scan3A_109, %dma_start3A_122] : memref<40x128xi32, #tpu.memory_space<vmem>> -> memref<1x128xi32, #tpu.memory_space<vmem>>
        %dma_start3A_124 = tpu.memref_squeeze %dma_start3A_123 : memref<1x128xi32, #tpu.memory_space<vmem>> -> memref<128xi32, #tpu.memory_space<vmem>>
        %dma_start3A_125 = tpu.memref_slice %arg2[%dma_start3A_121, %mul3A_120] : memref<2x320000xi32, #tpu.memory_space<hbm>> -> memref<1x128xi32, #tpu.memory_space<hbm>>
        %dma_start3A_126 = tpu.memref_squeeze %dma_start3A_125 : memref<1x128xi32, #tpu.memory_space<hbm>> -> memref<128xi32, #tpu.memory_space<hbm>>
        %dma_start3A_127 = arith.constant 0 : i32
        %dma_start3A_128 = tpu.memref_slice %arg10[%scan3A_109, %dma_start3A_127] : memref<40x128xi32, #tpu.memory_space<vmem>> -> memref<1x128xi32, #tpu.memory_space<vmem>>
        %dma_start3A_129 = tpu.memref_squeeze %dma_start3A_128 : memref<1x128xi32, #tpu.memory_space<vmem>> -> memref<128xi32, #tpu.memory_space<vmem>>
        %dma_start3A_130 = tpu.memref_slice %arg2[%dma_start3A_121, %mul3A_120] : memref<2x320000xi32, #tpu.memory_space<hbm>> -> memref<1x128xi32, #tpu.memory_space<hbm>>
        %dma_start3A_131 = tpu.memref_squeeze %dma_start3A_130 : memref<1x128xi32, #tpu.memory_space<hbm>> -> memref<128xi32, #tpu.memory_space<hbm>>
        tpu.enqueue_dma source(%dma_start3A_131 : memref<128xi32, #tpu.memory_space<hbm>>) target(%dma_start3A_129 : memref<128xi32, #tpu.memory_space<vmem>>) target_semaphore(%arg23 : memref<!tpu.dma_semaphore, #tpu.memory_space<semaphore_mem>>)
        %mul3A_132 = arith.constant 128 : i32
        %mul3A_133 = arith.muli %add3A_110, %mul3A_132 : i32
        %dma_start3A_134 = arith.constant 1 : i32
        %dma_start3A_135 = arith.constant 0 : i32
        %dma_start3A_136 = tpu.memref_slice %arg11[%scan3A_109, %dma_start3A_135] : memref<40x128xi32, #tpu.memory_space<vmem>> -> memref<1x128xi32, #tpu.memory_space<vmem>>
        %dma_start3A_137 = tpu.memref_squeeze %dma_start3A_136 : memref<1x128xi32, #tpu.memory_space<vmem>> -> memref<128xi32, #tpu.memory_space<vmem>>
        %dma_start3A_138 = tpu.memref_slice %arg2[%dma_start3A_134, %mul3A_133] : memref<2x320000xi32, #tpu.memory_space<hbm>> -> memref<1x128xi32, #tpu.memory_space<hbm>>
        %dma_start3A_139 = tpu.memref_squeeze %dma_start3A_138 : memref<1x128xi32, #tpu.memory_space<hbm>> -> memref<128xi32, #tpu.memory_space<hbm>>
        %dma_start3A_140 = arith.constant 0 : i32
        %dma_start3A_141 = tpu.memref_slice %arg11[%scan3A_109, %dma_start3A_140] : memref<40x128xi32, #tpu.memory_space<vmem>> -> memref<1x128xi32, #tpu.memory_space<vmem>>
        %dma_start3A_142 = tpu.memref_squeeze %dma_start3A_141 : memref<1x128xi32, #tpu.memory_space<vmem>> -> memref<128xi32, #tpu.memory_space<vmem>>
        %dma_start3A_143 = tpu.memref_slice %arg2[%dma_start3A_134, %mul3A_133] : memref<2x320000xi32, #tpu.memory_space<hbm>> -> memref<1x128xi32, #tpu.memory_space<hbm>>
        %dma_start3A_144 = tpu.memref_squeeze %dma_start3A_143 : memref<1x128xi32, #tpu.memory_space<hbm>> -> memref<128xi32, #tpu.memory_space<hbm>>
        tpu.enqueue_dma source(%dma_start3A_144 : memref<128xi32, #tpu.memory_space<hbm>>) target(%dma_start3A_142 : memref<128xi32, #tpu.memory_space<vmem>>) target_semaphore(%arg24 : memref<!tpu.dma_semaphore, #tpu.memory_space<semaphore_mem>>)
      } else {
      }
      %ge3A = arith.constant 2500 : i32
      %ge3A_115 = arith.cmpi sge, %add3A_110, %ge3A : i32
      %convert_element_type3A_116 = arith.extui %ge3A_115 : i1 to i32
      %cond3A_117 = arith.constant 0 : i32
      %cond3A_118 = arith.cmpi ne, %convert_element_type3A_116, %cond3A_117 : i32
      scf.if %cond3A_118 {
        %sub3A = arith.constant 2500 : i32
        %sub3A_119 = arith.subi %add3A_110, %sub3A : i32
        %mul3A_120 = arith.constant 128 : i32
        %mul3A_121 = arith.muli %sub3A_119, %mul3A_120 : i32
        %dma_start3A_122 = arith.constant 0 : i32
        %dma_start3A_123 = tpu.memref_slice %arg10[%scan3A_109, %dma_start3A_122] : memref<40x128xi32, #tpu.memory_space<vmem>> -> memref<1x128xi32, #tpu.memory_space<vmem>>
        %dma_start3A_124 = tpu.memref_squeeze %dma_start3A_123 : memref<1x128xi32, #tpu.memory_space<vmem>> -> memref<128xi32, #tpu.memory_space<vmem>>
        %dma_start3A_125 = tpu.memref_slice %arg3[%mul3A_121] : memref<7680xi32, #tpu.memory_space<hbm>> -> memref<128xi32, #tpu.memory_space<hbm>>
        %dma_start3A_126 = arith.constant 0 : i32
        %dma_start3A_127 = tpu.memref_slice %arg10[%scan3A_109, %dma_start3A_126] : memref<40x128xi32, #tpu.memory_space<vmem>> -> memref<1x128xi32, #tpu.memory_space<vmem>>
        %dma_start3A_128 = tpu.memref_squeeze %dma_start3A_127 : memref<1x128xi32, #tpu.memory_space<vmem>> -> memref<128xi32, #tpu.memory_space<vmem>>
        %dma_start3A_129 = tpu.memref_slice %arg3[%mul3A_121] : memref<7680xi32, #tpu.memory_space<hbm>> -> memref<128xi32, #tpu.memory_space<hbm>>
        tpu.enqueue_dma source(%dma_start3A_129 : memref<128xi32, #tpu.memory_space<hbm>>) target(%dma_start3A_128 : memref<128xi32, #tpu.memory_space<vmem>>) target_semaphore(%arg23 : memref<!tpu.dma_semaphore, #tpu.memory_space<semaphore_mem>>)
        %dma_start3A_130 = arith.constant 0 : i32
        %dma_start3A_131 = tpu.memref_slice %arg11[%scan3A_109, %dma_start3A_130] : memref<40x128xi32, #tpu.memory_space<vmem>> -> memref<1x128xi32, #tpu.memory_space<vmem>>
        %dma_start3A_132 = tpu.memref_squeeze %dma_start3A_131 : memref<1x128xi32, #tpu.memory_space<vmem>> -> memref<128xi32, #tpu.memory_space<vmem>>
        %dma_start3A_133 = tpu.memref_slice %arg3[%mul3A_121] : memref<7680xi32, #tpu.memory_space<hbm>> -> memref<128xi32, #tpu.memory_space<hbm>>
        %dma_start3A_134 = arith.constant 0 : i32
        %dma_start3A_135 = tpu.memref_slice %arg11[%scan3A_109, %dma_start3A_134] : memref<40x128xi32, #tpu.memory_space<vmem>> -> memref<1x128xi32, #tpu.memory_space<vmem>>
        %dma_start3A_136 = tpu.memref_squeeze %dma_start3A_135 : memref<1x128xi32, #tpu.memory_space<vmem>> -> memref<128xi32, #tpu.memory_space<vmem>>
        %dma_start3A_137 = tpu.memref_slice %arg3[%mul3A_121] : memref<7680xi32, #tpu.memory_space<hbm>> -> memref<128xi32, #tpu.memory_space<hbm>>
        tpu.enqueue_dma source(%dma_start3A_137 : memref<128xi32, #tpu.memory_space<hbm>>) target(%dma_start3A_136 : memref<128xi32, #tpu.memory_space<vmem>>) target_semaphore(%arg24 : memref<!tpu.dma_semaphore, #tpu.memory_space<semaphore_mem>>)
      } else {
      }
    }
    %scan3A_60 = arith.constant 40 : i32
    %scan3A_61 = arith.constant 0 : i32
    %scan3A_62 = arith.constant 0 : i32
    %scan3A_63 = arith.constant 40 : i32
    %scan3A_64 = arith.addi %scan3A_62, %scan3A_63 : i32
    %scan3A_65 = arith.constant 1 : i32
    scf.for %scan3A_109 = %scan3A_62 to %scan3A_64 step %scan3A_65  : i32 {
      %add3A_110 = arith.addi %add3A_54, %scan3A_109 : i32
      %lt3A = arith.constant 2500 : i32
      %lt3A_111 = arith.cmpi slt, %add3A_110, %lt3A : i32
      %convert_element_type3A_112 = arith.extui %lt3A_111 : i1 to i32
      %cond3A_113 = arith.constant 0 : i32
      %cond3A_114 = arith.cmpi ne, %convert_element_type3A_112, %cond3A_113 : i32
      scf.if %cond3A_114 {
        %mul3A_119 = arith.constant 128 : i32
        %mul3A_120 = arith.muli %add3A_110, %mul3A_119 : i32
        %dma_wait3A = arith.constant 0 : i32
        %dma_wait3A_121 = arith.constant 0 : i32
        %dma_wait3A_122 = tpu.memref_slice %arg10[%scan3A_109, %dma_wait3A_121] : memref<40x128xi32, #tpu.memory_space<vmem>> -> memref<1x128xi32, #tpu.memory_space<vmem>>
        %dma_wait3A_123 = tpu.memref_squeeze %dma_wait3A_122 : memref<1x128xi32, #tpu.memory_space<vmem>> -> memref<128xi32, #tpu.memory_space<vmem>>
        %dma_wait3A_124 = tpu.memref_slice %arg2[%dma_wait3A, %mul3A_120] : memref<2x320000xi32, #tpu.memory_space<hbm>> -> memref<1x128xi32, #tpu.memory_space<hbm>>
        %dma_wait3A_125 = tpu.memref_squeeze %dma_wait3A_124 : memref<1x128xi32, #tpu.memory_space<hbm>> -> memref<128xi32, #tpu.memory_space<hbm>>
        %dma_wait3A_126 = arith.constant 0 : i32
        %dma_wait3A_127 = tpu.memref_slice %arg10[%scan3A_109, %dma_wait3A_126] : memref<40x128xi32, #tpu.memory_space<vmem>> -> memref<1x128xi32, #tpu.memory_space<vmem>>
        %dma_wait3A_128 = tpu.memref_squeeze %dma_wait3A_127 : memref<1x128xi32, #tpu.memory_space<vmem>> -> memref<128xi32, #tpu.memory_space<vmem>>
        %dma_wait3A_129 = tpu.memref_slice %arg2[%dma_wait3A, %mul3A_120] : memref<2x320000xi32, #tpu.memory_space<hbm>> -> memref<1x128xi32, #tpu.memory_space<hbm>>
        %dma_wait3A_130 = tpu.memref_squeeze %dma_wait3A_129 : memref<1x128xi32, #tpu.memory_space<hbm>> -> memref<128xi32, #tpu.memory_space<hbm>>
        tpu.wait_dma2 semaphore(%arg23 : memref<!tpu.dma_semaphore, #tpu.memory_space<semaphore_mem>>) src(%dma_wait3A_130 : memref<128xi32, #tpu.memory_space<hbm>>) dst(%dma_wait3A_128 : memref<128xi32, #tpu.memory_space<vmem>>)
        %mul3A_131 = arith.constant 128 : i32
        %mul3A_132 = arith.muli %add3A_110, %mul3A_131 : i32
        %dma_wait3A_133 = arith.constant 1 : i32
        %dma_wait3A_134 = arith.constant 0 : i32
        %dma_wait3A_135 = tpu.memref_slice %arg11[%scan3A_109, %dma_wait3A_134] : memref<40x128xi32, #tpu.memory_space<vmem>> -> memref<1x128xi32, #tpu.memory_space<vmem>>
        %dma_wait3A_136 = tpu.memref_squeeze %dma_wait3A_135 : memref<1x128xi32, #tpu.memory_space<vmem>> -> memref<128xi32, #tpu.memory_space<vmem>>
        %dma_wait3A_137 = tpu.memref_slice %arg2[%dma_wait3A_133, %mul3A_132] : memref<2x320000xi32, #tpu.memory_space<hbm>> -> memref<1x128xi32, #tpu.memory_space<hbm>>
        %dma_wait3A_138 = tpu.memref_squeeze %dma_wait3A_137 : memref<1x128xi32, #tpu.memory_space<hbm>> -> memref<128xi32, #tpu.memory_space<hbm>>
        %dma_wait3A_139 = arith.constant 0 : i32
        %dma_wait3A_140 = tpu.memref_slice %arg11[%scan3A_109, %dma_wait3A_139] : memref<40x128xi32, #tpu.memory_space<vmem>> -> memref<1x128xi32, #tpu.memory_space<vmem>>
        %dma_wait3A_141 = tpu.memref_squeeze %dma_wait3A_140 : memref<1x128xi32, #tpu.memory_space<vmem>> -> memref<128xi32, #tpu.memory_space<vmem>>
        %dma_wait3A_142 = tpu.memref_slice %arg2[%dma_wait3A_133, %mul3A_132] : memref<2x320000xi32, #tpu.memory_space<hbm>> -> memref<1x128xi32, #tpu.memory_space<hbm>>
        %dma_wait3A_143 = tpu.memref_squeeze %dma_wait3A_142 : memref<1x128xi32, #tpu.memory_space<hbm>> -> memref<128xi32, #tpu.memory_space<hbm>>
        tpu.wait_dma2 semaphore(%arg24 : memref<!tpu.dma_semaphore, #tpu.memory_space<semaphore_mem>>) src(%dma_wait3A_143 : memref<128xi32, #tpu.memory_space<hbm>>) dst(%dma_wait3A_141 : memref<128xi32, #tpu.memory_space<vmem>>)
      } else {
      }
      %ge3A = arith.constant 2500 : i32
      %ge3A_115 = arith.cmpi sge, %add3A_110, %ge3A : i32
      %convert_element_type3A_116 = arith.extui %ge3A_115 : i1 to i32
      %cond3A_117 = arith.constant 0 : i32
      %cond3A_118 = arith.cmpi ne, %convert_element_type3A_116, %cond3A_117 : i32
      scf.if %cond3A_118 {
        %sub3A = arith.constant 2500 : i32
        %sub3A_119 = arith.subi %add3A_110, %sub3A : i32
        %mul3A_120 = arith.constant 128 : i32
        %mul3A_121 = arith.muli %sub3A_119, %mul3A_120 : i32
        %dma_wait3A = arith.constant 0 : i32
        %dma_wait3A_122 = tpu.memref_slice %arg10[%scan3A_109, %dma_wait3A] : memref<40x128xi32, #tpu.memory_space<vmem>> -> memref<1x128xi32, #tpu.memory_space<vmem>>
        %dma_wait3A_123 = tpu.memref_squeeze %dma_wait3A_122 : memref<1x128xi32, #tpu.memory_space<vmem>> -> memref<128xi32, #tpu.memory_space<vmem>>
        %dma_wait3A_124 = tpu.memref_slice %arg3[%mul3A_121] : memref<7680xi32, #tpu.memory_space<hbm>> -> memref<128xi32, #tpu.memory_space<hbm>>
        %dma_wait3A_125 = arith.constant 0 : i32
        %dma_wait3A_126 = tpu.memref_slice %arg10[%scan3A_109, %dma_wait3A_125] : memref<40x128xi32, #tpu.memory_space<vmem>> -> memref<1x128xi32, #tpu.memory_space<vmem>>
        %dma_wait3A_127 = tpu.memref_squeeze %dma_wait3A_126 : memref<1x128xi32, #tpu.memory_space<vmem>> -> memref<128xi32, #tpu.memory_space<vmem>>
        %dma_wait3A_128 = tpu.memref_slice %arg3[%mul3A_121] : memref<7680xi32, #tpu.memory_space<hbm>> -> memref<128xi32, #tpu.memory_space<hbm>>
        tpu.wait_dma2 semaphore(%arg23 : memref<!tpu.dma_semaphore, #tpu.memory_space<semaphore_mem>>) src(%dma_wait3A_128 : memref<128xi32, #tpu.memory_space<hbm>>) dst(%dma_wait3A_127 : memref<128xi32, #tpu.memory_space<vmem>>)
        %dma_wait3A_129 = arith.constant 0 : i32
        %dma_wait3A_130 = tpu.memref_slice %arg11[%scan3A_109, %dma_wait3A_129] : memref<40x128xi32, #tpu.memory_space<vmem>> -> memref<1x128xi32, #tpu.memory_space<vmem>>
        %dma_wait3A_131 = tpu.memref_squeeze %dma_wait3A_130 : memref<1x128xi32, #tpu.memory_space<vmem>> -> memref<128xi32, #tpu.memory_space<vmem>>
        %dma_wait3A_132 = tpu.memref_slice %arg3[%mul3A_121] : memref<7680xi32, #tpu.memory_space<hbm>> -> memref<128xi32, #tpu.memory_space<hbm>>
        %dma_wait3A_133 = arith.constant 0 : i32
        %dma_wait3A_134 = tpu.memref_slice %arg11[%scan3A_109, %dma_wait3A_133] : memref<40x128xi32, #tpu.memory_space<vmem>> -> memref<1x128xi32, #tpu.memory_space<vmem>>
        %dma_wait3A_135 = tpu.memref_squeeze %dma_wait3A_134 : memref<1x128xi32, #tpu.memory_space<vmem>> -> memref<128xi32, #tpu.memory_space<vmem>>
        %dma_wait3A_136 = tpu.memref_slice %arg3[%mul3A_121] : memref<7680xi32, #tpu.memory_space<hbm>> -> memref<128xi32, #tpu.memory_space<hbm>>
        tpu.wait_dma2 semaphore(%arg24 : memref<!tpu.dma_semaphore, #tpu.memory_space<semaphore_mem>>) src(%dma_wait3A_136 : memref<128xi32, #tpu.memory_space<hbm>>) dst(%dma_wait3A_135 : memref<128xi32, #tpu.memory_space<vmem>>)
      } else {
      }
    }
    %scan3A_66 = arith.constant 40 : i32
    %dma_start3A_67 = arith.constant 0 : i32
    %dma_start3A_68 = arith.constant 0 : i32
    %dma_start3A_69 = tpu.memref_slice %arg10[%dma_start3A_67, %dma_start3A_68] : memref<40x128xi32, #tpu.memory_space<vmem>> -> memref<1x128xi32, #tpu.memory_space<vmem>>
    %dma_start3A_70 = tpu.memref_squeeze %dma_start3A_69 : memref<1x128xi32, #tpu.memory_space<vmem>> -> memref<128xi32, #tpu.memory_space<vmem>>
    %dma_start3A_71 = arith.constant 0 : i32
    %dma_start3A_72 = arith.constant 0 : i32
    %dma_start3A_73 = tpu.memref_slice %arg4[%dma_start3A_71, %dma_start3A_72] : memref<10112x128xf32, #tpu.memory_space<hbm>> -> memref<10112x128xf32, #tpu.memory_space<hbm>>
    tpu.enqueue_indirect_dma source(%dma_start3A_73 : memref<10112x128xf32, #tpu.memory_space<hbm>>) target(%arg12 : memref<128x128xf32, #tpu.memory_space<vmem>>) offsets(%dma_start3A_70 : memref<128xi32, #tpu.memory_space<vmem>>) semaphore(%arg19 : memref<!tpu.dma_semaphore, #tpu.memory_space<semaphore_mem>>)
    %dma_start3A_74 = arith.constant 1 : i32
    %dma_start3A_75 = arith.constant 0 : i32
    %dma_start3A_76 = tpu.memref_slice %arg10[%dma_start3A_74, %dma_start3A_75] : memref<40x128xi32, #tpu.memory_space<vmem>> -> memref<1x128xi32, #tpu.memory_space<vmem>>
    %dma_start3A_77 = tpu.memref_squeeze %dma_start3A_76 : memref<1x128xi32, #tpu.memory_space<vmem>> -> memref<128xi32, #tpu.memory_space<vmem>>
    %dma_start3A_78 = arith.constant 0 : i32
    %dma_start3A_79 = arith.constant 0 : i32
    %dma_start3A_80 = tpu.memref_slice %arg4[%dma_start3A_78, %dma_start3A_79] : memref<10112x128xf32, #tpu.memory_space<hbm>> -> memref<10112x128xf32, #tpu.memory_space<hbm>>
    tpu.enqueue_indirect_dma source(%dma_start3A_80 : memref<10112x128xf32, #tpu.memory_space<hbm>>) target(%arg13 : memref<128x128xf32, #tpu.memory_space<vmem>>) offsets(%dma_start3A_77 : memref<128xi32, #tpu.memory_space<vmem>>) semaphore(%arg20 : memref<!tpu.dma_semaphore, #tpu.memory_space<semaphore_mem>>)
    %dma_start3A_81 = arith.constant 0 : i32
    %dma_start3A_82 = arith.constant 0 : i32
    %dma_start3A_83 = tpu.memref_slice %arg11[%dma_start3A_81, %dma_start3A_82] : memref<40x128xi32, #tpu.memory_space<vmem>> -> memref<1x128xi32, #tpu.memory_space<vmem>>
    %dma_start3A_84 = tpu.memref_squeeze %dma_start3A_83 : memref<1x128xi32, #tpu.memory_space<vmem>> -> memref<128xi32, #tpu.memory_space<vmem>>
    %dma_start3A_85 = arith.constant 0 : i32
    %dma_start3A_86 = tpu.memref_slice %arg18[%dma_start3A_85] : memref<10112xf32, #tpu.memory_space<vmem_shared>> -> memref<10112xf32, #tpu.memory_space<vmem_shared>>
    tpu.enqueue_indirect_dma source(%dma_start3A_86 : memref<10112xf32, #tpu.memory_space<vmem_shared>>) target(%arg14 : memref<128xf32, #tpu.memory_space<vmem>>) offsets(%dma_start3A_84 : memref<128xi32, #tpu.memory_space<vmem>>) semaphore(%arg21 : memref<!tpu.dma_semaphore, #tpu.memory_space<semaphore_mem>>)
    %dma_start3A_87 = arith.constant 1 : i32
    %dma_start3A_88 = arith.constant 0 : i32
    %dma_start3A_89 = tpu.memref_slice %arg11[%dma_start3A_87, %dma_start3A_88] : memref<40x128xi32, #tpu.memory_space<vmem>> -> memref<1x128xi32, #tpu.memory_space<vmem>>
    %dma_start3A_90 = tpu.memref_squeeze %dma_start3A_89 : memref<1x128xi32, #tpu.memory_space<vmem>> -> memref<128xi32, #tpu.memory_space<vmem>>
    %dma_start3A_91 = arith.constant 0 : i32
    %dma_start3A_92 = tpu.memref_slice %arg18[%dma_start3A_91] : memref<10112xf32, #tpu.memory_space<vmem_shared>> -> memref<10112xf32, #tpu.memory_space<vmem_shared>>
    tpu.enqueue_indirect_dma source(%dma_start3A_92 : memref<10112xf32, #tpu.memory_space<vmem_shared>>) target(%arg15 : memref<128xf32, #tpu.memory_space<vmem>>) offsets(%dma_start3A_90 : memref<128xi32, #tpu.memory_space<vmem>>) semaphore(%arg22 : memref<!tpu.dma_semaphore, #tpu.memory_space<semaphore_mem>>)
    %scan3A_93 = arith.constant 0 : i32
    %scan3A_94 = arith.constant 0 : i32
    %scan3A_95 = arith.constant 20 : i32
    %scan3A_96 = arith.addi %scan3A_94, %scan3A_95 : i32
    %scan3A_97 = arith.constant 1 : i32
    scf.for %scan3A_109 = %scan3A_94 to %scan3A_96 step %scan3A_97  : i32 {
      %mul3A_110 = arith.constant 2 : i32
      %mul3A_111 = arith.muli %mul3A_110, %scan3A_109 : i32
      %add3A_112 = arith.constant 2 : i32
      %add3A_113 = arith.addi %mul3A_111, %add3A_112 : i32
      %dma_wait3A = arith.constant 0 : i32
      %dma_wait3A_114 = tpu.memref_slice %arg10[%mul3A_111, %dma_wait3A] : memref<40x128xi32, #tpu.memory_space<vmem>> -> memref<1x128xi32, #tpu.memory_space<vmem>>
      %dma_wait3A_115 = tpu.memref_squeeze %dma_wait3A_114 : memref<1x128xi32, #tpu.memory_space<vmem>> -> memref<128xi32, #tpu.memory_space<vmem>>
      %dma_wait3A_116 = arith.constant 0 : i32
      %dma_wait3A_117 = arith.constant 0 : i32
      %dma_wait3A_118 = tpu.memref_slice %arg4[%dma_wait3A_116, %dma_wait3A_117] : memref<10112x128xf32, #tpu.memory_space<hbm>> -> memref<10112x128xf32, #tpu.memory_space<hbm>>
      tpu.wait_indirect_dma semaphore(%arg19 : memref<!tpu.dma_semaphore, #tpu.memory_space<semaphore_mem>>) src(%dma_wait3A_118 : memref<10112x128xf32, #tpu.memory_space<hbm>>) dst(%arg12 : memref<128x128xf32, #tpu.memory_space<vmem>>)
      %lt3A = arith.constant 40 : i32
      %lt3A_119 = arith.cmpi slt, %add3A_113, %lt3A : i32
      %convert_element_type3A_120 = arith.extui %lt3A_119 : i1 to i32
      %cond3A_121 = arith.constant 0 : i32
      %cond3A_122 = arith.cmpi ne, %convert_element_type3A_120, %cond3A_121 : i32
      scf.if %cond3A_122 {
        %dma_start3A_158 = arith.constant 0 : i32
        %dma_start3A_159 = tpu.memref_slice %arg10[%add3A_113, %dma_start3A_158] : memref<40x128xi32, #tpu.memory_space<vmem>> -> memref<1x128xi32, #tpu.memory_space<vmem>>
        %dma_start3A_160 = tpu.memref_squeeze %dma_start3A_159 : memref<1x128xi32, #tpu.memory_space<vmem>> -> memref<128xi32, #tpu.memory_space<vmem>>
        %dma_start3A_161 = arith.constant 0 : i32
        %dma_start3A_162 = arith.constant 0 : i32
        %dma_start3A_163 = tpu.memref_slice %arg4[%dma_start3A_161, %dma_start3A_162] : memref<10112x128xf32, #tpu.memory_space<hbm>> -> memref<10112x128xf32, #tpu.memory_space<hbm>>
        tpu.enqueue_indirect_dma source(%dma_start3A_163 : memref<10112x128xf32, #tpu.memory_space<hbm>>) target(%arg12 : memref<128x128xf32, #tpu.memory_space<vmem>>) offsets(%dma_start3A_160 : memref<128xi32, #tpu.memory_space<vmem>>) semaphore(%arg19 : memref<!tpu.dma_semaphore, #tpu.memory_space<semaphore_mem>>)
      } else {
      }
      "tpu.region"() ({
        %run_scoped3A = tpu.sem_alloc : memref<!tpu.dma_semaphore, #tpu.memory_space<semaphore_mem>>
        %dma_start3A_158 = arith.constant 0 : i32
        %dma_start3A_159 = tpu.memref_slice %arg11[%mul3A_111, %dma_start3A_158] : memref<40x128xi32, #tpu.memory_space<vmem>> -> memref<1x128xi32, #tpu.memory_space<vmem>>
        %dma_start3A_160 = tpu.memref_squeeze %dma_start3A_159 : memref<1x128xi32, #tpu.memory_space<vmem>> -> memref<128xi32, #tpu.memory_space<vmem>>
        %dma_start3A_161 = arith.constant 0 : i32
        %dma_start3A_162 = arith.constant 0 : i32
        %dma_start3A_163 = tpu.memref_slice %arg16[%dma_start3A_161, %dma_start3A_162] : memref<10112x128xf32, #tpu.memory_space<vmem_shared>> -> memref<10112x128xf32, #tpu.memory_space<vmem_shared>>
        tpu.enqueue_indirect_dma source(%arg12 : memref<128x128xf32, #tpu.memory_space<vmem>>) target(%dma_start3A_163 : memref<10112x128xf32, #tpu.memory_space<vmem_shared>>) offsets(%dma_start3A_160 : memref<128xi32, #tpu.memory_space<vmem>>) semaphore(%run_scoped3A : memref<!tpu.dma_semaphore, #tpu.memory_space<semaphore_mem>>) {add = true}
        %dma_wait3A_164 = arith.constant 0 : i32
        %dma_wait3A_165 = tpu.memref_slice %arg11[%mul3A_111, %dma_wait3A_164] : memref<40x128xi32, #tpu.memory_space<vmem>> -> memref<1x128xi32, #tpu.memory_space<vmem>>
        %dma_wait3A_166 = tpu.memref_squeeze %dma_wait3A_165 : memref<1x128xi32, #tpu.memory_space<vmem>> -> memref<128xi32, #tpu.memory_space<vmem>>
        %dma_wait3A_167 = arith.constant 0 : i32
        %dma_wait3A_168 = arith.constant 0 : i32
        %dma_wait3A_169 = tpu.memref_slice %arg16[%dma_wait3A_167, %dma_wait3A_168] : memref<10112x128xf32, #tpu.memory_space<vmem_shared>> -> memref<10112x128xf32, #tpu.memory_space<vmem_shared>>
        tpu.wait_indirect_dma semaphore(%run_scoped3A : memref<!tpu.dma_semaphore, #tpu.memory_space<semaphore_mem>>) src(%arg12 : memref<128x128xf32, #tpu.memory_space<vmem>>) dst(%dma_wait3A_169 : memref<10112x128xf32, #tpu.memory_space<vmem_shared>>)
        tpu.yield
      }) : () -> ()
      %dma_wait3A_123 = arith.constant 0 : i32
      %dma_wait3A_124 = tpu.memref_slice %arg11[%mul3A_111, %dma_wait3A_123] : memref<40x128xi32, #tpu.memory_space<vmem>> -> memref<1x128xi32, #tpu.memory_space<vmem>>
      %dma_wait3A_125 = tpu.memref_squeeze %dma_wait3A_124 : memref<1x128xi32, #tpu.memory_space<vmem>> -> memref<128xi32, #tpu.memory_space<vmem>>
      %dma_wait3A_126 = arith.constant 0 : i32
      %dma_wait3A_127 = tpu.memref_slice %arg18[%dma_wait3A_126] : memref<10112xf32, #tpu.memory_space<vmem_shared>> -> memref<10112xf32, #tpu.memory_space<vmem_shared>>
      tpu.wait_indirect_dma semaphore(%arg21 : memref<!tpu.dma_semaphore, #tpu.memory_space<semaphore_mem>>) src(%dma_wait3A_127 : memref<10112xf32, #tpu.memory_space<vmem_shared>>) dst(%arg14 : memref<128xf32, #tpu.memory_space<vmem>>)
      %lt3A_128 = arith.constant 40 : i32
      %lt3A_129 = arith.cmpi slt, %add3A_113, %lt3A_128 : i32
      %convert_element_type3A_130 = arith.extui %lt3A_129 : i1 to i32
      %cond3A_131 = arith.constant 0 : i32
      %cond3A_132 = arith.cmpi ne, %convert_element_type3A_130, %cond3A_131 : i32
      scf.if %cond3A_132 {
        %dma_start3A_158 = arith.constant 0 : i32
        %dma_start3A_159 = tpu.memref_slice %arg11[%add3A_113, %dma_start3A_158] : memref<40x128xi32, #tpu.memory_space<vmem>> -> memref<1x128xi32, #tpu.memory_space<vmem>>
        %dma_start3A_160 = tpu.memref_squeeze %dma_start3A_159 : memref<1x128xi32, #tpu.memory_space<vmem>> -> memref<128xi32, #tpu.memory_space<vmem>>
        %dma_start3A_161 = arith.constant 0 : i32
        %dma_start3A_162 = tpu.memref_slice %arg18[%dma_start3A_161] : memref<10112xf32, #tpu.memory_space<vmem_shared>> -> memref<10112xf32, #tpu.memory_space<vmem_shared>>
        tpu.enqueue_indirect_dma source(%dma_start3A_162 : memref<10112xf32, #tpu.memory_space<vmem_shared>>) target(%arg14 : memref<128xf32, #tpu.memory_space<vmem>>) offsets(%dma_start3A_160 : memref<128xi32, #tpu.memory_space<vmem>>) semaphore(%arg21 : memref<!tpu.dma_semaphore, #tpu.memory_space<semaphore_mem>>)
      } else {
      }
      "tpu.region"() ({
        %run_scoped3A = tpu.sem_alloc : memref<!tpu.dma_semaphore, #tpu.memory_space<semaphore_mem>>
        %dma_start3A_158 = arith.constant 0 : i32
        %dma_start3A_159 = tpu.memref_slice %arg10[%mul3A_111, %dma_start3A_158] : memref<40x128xi32, #tpu.memory_space<vmem>> -> memref<1x128xi32, #tpu.memory_space<vmem>>
        %dma_start3A_160 = tpu.memref_squeeze %dma_start3A_159 : memref<1x128xi32, #tpu.memory_space<vmem>> -> memref<128xi32, #tpu.memory_space<vmem>>
        %dma_start3A_161 = arith.constant 0 : i32
        %dma_start3A_162 = tpu.memref_slice %arg17[%dma_start3A_161] : memref<10112xf32, #tpu.memory_space<vmem_shared>> -> memref<10112xf32, #tpu.memory_space<vmem_shared>>
        tpu.enqueue_indirect_dma source(%arg14 : memref<128xf32, #tpu.memory_space<vmem>>) target(%dma_start3A_162 : memref<10112xf32, #tpu.memory_space<vmem_shared>>) offsets(%dma_start3A_160 : memref<128xi32, #tpu.memory_space<vmem>>) semaphore(%run_scoped3A : memref<!tpu.dma_semaphore, #tpu.memory_space<semaphore_mem>>) {add = true}
        %dma_wait3A_163 = arith.constant 0 : i32
        %dma_wait3A_164 = tpu.memref_slice %arg10[%mul3A_111, %dma_wait3A_163] : memref<40x128xi32, #tpu.memory_space<vmem>> -> memref<1x128xi32, #tpu.memory_space<vmem>>
        %dma_wait3A_165 = tpu.memref_squeeze %dma_wait3A_164 : memref<1x128xi32, #tpu.memory_space<vmem>> -> memref<128xi32, #tpu.memory_space<vmem>>
        %dma_wait3A_166 = arith.constant 0 : i32
        %dma_wait3A_167 = tpu.memref_slice %arg17[%dma_wait3A_166] : memref<10112xf32, #tpu.memory_space<vmem_shared>> -> memref<10112xf32, #tpu.memory_space<vmem_shared>>
        tpu.wait_indirect_dma semaphore(%run_scoped3A : memref<!tpu.dma_semaphore, #tpu.memory_space<semaphore_mem>>) src(%arg14 : memref<128xf32, #tpu.memory_space<vmem>>) dst(%dma_wait3A_167 : memref<10112xf32, #tpu.memory_space<vmem_shared>>)
        tpu.yield
      }) : () -> ()
      %add3A_133 = arith.constant 1 : i32
      %add3A_134 = arith.addi %mul3A_111, %add3A_133 : i32
      %add3A_135 = arith.constant 3 : i32
      %add3A_136 = arith.addi %mul3A_111, %add3A_135 : i32
      %dma_wait3A_137 = arith.constant 0 : i32
      %dma_wait3A_138 = tpu.memref_slice %arg10[%add3A_134, %dma_wait3A_137] : memref<40x128xi32, #tpu.memory_space<vmem>> -> memref<1x128xi32, #tpu.memory_space<vmem>>
      %dma_wait3A_139 = tpu.memref_squeeze %dma_wait3A_138 : memref<1x128xi32, #tpu.memory_space<vmem>> -> memref<128xi32, #tpu.memory_space<vmem>>
      %dma_wait3A_140 = arith.constant 0 : i32
      %dma_wait3A_141 = arith.constant 0 : i32
      %dma_wait3A_142 = tpu.memref_slice %arg4[%dma_wait3A_140, %dma_wait3A_141] : memref<10112x128xf32, #tpu.memory_space<hbm>> -> memref<10112x128xf32, #tpu.memory_space<hbm>>
      tpu.wait_indirect_dma semaphore(%arg20 : memref<!tpu.dma_semaphore, #tpu.memory_space<semaphore_mem>>) src(%dma_wait3A_142 : memref<10112x128xf32, #tpu.memory_space<hbm>>) dst(%arg13 : memref<128x128xf32, #tpu.memory_space<vmem>>)
      %lt3A_143 = arith.constant 40 : i32
      %lt3A_144 = arith.cmpi slt, %add3A_136, %lt3A_143 : i32
      %convert_element_type3A_145 = arith.extui %lt3A_144 : i1 to i32
      %cond3A_146 = arith.constant 0 : i32
      %cond3A_147 = arith.cmpi ne, %convert_element_type3A_145, %cond3A_146 : i32
      scf.if %cond3A_147 {
        %dma_start3A_158 = arith.constant 0 : i32
        %dma_start3A_159 = tpu.memref_slice %arg10[%add3A_136, %dma_start3A_158] : memref<40x128xi32, #tpu.memory_space<vmem>> -> memref<1x128xi32, #tpu.memory_space<vmem>>
        %dma_start3A_160 = tpu.memref_squeeze %dma_start3A_159 : memref<1x128xi32, #tpu.memory_space<vmem>> -> memref<128xi32, #tpu.memory_space<vmem>>
        %dma_start3A_161 = arith.constant 0 : i32
        %dma_start3A_162 = arith.constant 0 : i32
        %dma_start3A_163 = tpu.memref_slice %arg4[%dma_start3A_161, %dma_start3A_162] : memref<10112x128xf32, #tpu.memory_space<hbm>> -> memref<10112x128xf32, #tpu.memory_space<hbm>>
        tpu.enqueue_indirect_dma source(%dma_start3A_163 : memref<10112x128xf32, #tpu.memory_space<hbm>>) target(%arg13 : memref<128x128xf32, #tpu.memory_space<vmem>>) offsets(%dma_start3A_160 : memref<128xi32, #tpu.memory_space<vmem>>) semaphore(%arg20 : memref<!tpu.dma_semaphore, #tpu.memory_space<semaphore_mem>>)
      } else {
      }
      "tpu.region"() ({
        %run_scoped3A = tpu.sem_alloc : memref<!tpu.dma_semaphore, #tpu.memory_space<semaphore_mem>>
        %dma_start3A_158 = arith.constant 0 : i32
        %dma_start3A_159 = tpu.memref_slice %arg11[%add3A_134, %dma_start3A_158] : memref<40x128xi32, #tpu.memory_space<vmem>> -> memref<1x128xi32, #tpu.memory_space<vmem>>
        %dma_start3A_160 = tpu.memref_squeeze %dma_start3A_159 : memref<1x128xi32, #tpu.memory_space<vmem>> -> memref<128xi32, #tpu.memory_space<vmem>>
        %dma_start3A_161 = arith.constant 0 : i32
        %dma_start3A_162 = arith.constant 0 : i32
        %dma_start3A_163 = tpu.memref_slice %arg16[%dma_start3A_161, %dma_start3A_162] : memref<10112x128xf32, #tpu.memory_space<vmem_shared>> -> memref<10112x128xf32, #tpu.memory_space<vmem_shared>>
        tpu.enqueue_indirect_dma source(%arg13 : memref<128x128xf32, #tpu.memory_space<vmem>>) target(%dma_start3A_163 : memref<10112x128xf32, #tpu.memory_space<vmem_shared>>) offsets(%dma_start3A_160 : memref<128xi32, #tpu.memory_space<vmem>>) semaphore(%run_scoped3A : memref<!tpu.dma_semaphore, #tpu.memory_space<semaphore_mem>>) {add = true}
        %dma_wait3A_164 = arith.constant 0 : i32
        %dma_wait3A_165 = tpu.memref_slice %arg11[%add3A_134, %dma_wait3A_164] : memref<40x128xi32, #tpu.memory_space<vmem>> -> memref<1x128xi32, #tpu.memory_space<vmem>>
        %dma_wait3A_166 = tpu.memref_squeeze %dma_wait3A_165 : memref<1x128xi32, #tpu.memory_space<vmem>> -> memref<128xi32, #tpu.memory_space<vmem>>
        %dma_wait3A_167 = arith.constant 0 : i32
        %dma_wait3A_168 = arith.constant 0 : i32
        %dma_wait3A_169 = tpu.memref_slice %arg16[%dma_wait3A_167, %dma_wait3A_168] : memref<10112x128xf32, #tpu.memory_space<vmem_shared>> -> memref<10112x128xf32, #tpu.memory_space<vmem_shared>>
        tpu.wait_indirect_dma semaphore(%run_scoped3A : memref<!tpu.dma_semaphore, #tpu.memory_space<semaphore_mem>>) src(%arg13 : memref<128x128xf32, #tpu.memory_space<vmem>>) dst(%dma_wait3A_169 : memref<10112x128xf32, #tpu.memory_space<vmem_shared>>)
        tpu.yield
      }) : () -> ()
      %dma_wait3A_148 = arith.constant 0 : i32
      %dma_wait3A_149 = tpu.memref_slice %arg11[%add3A_134, %dma_wait3A_148] : memref<40x128xi32, #tpu.memory_space<vmem>> -> memref<1x128xi32, #tpu.memory_space<vmem>>
      %dma_wait3A_150 = tpu.memref_squeeze %dma_wait3A_149 : memref<1x128xi32, #tpu.memory_space<vmem>> -> memref<128xi32, #tpu.memory_space<vmem>>
      %dma_wait3A_151 = arith.constant 0 : i32
      %dma_wait3A_152 = tpu.memref_slice %arg18[%dma_wait3A_151] : memref<10112xf32, #tpu.memory_space<vmem_shared>> -> memref<10112xf32, #tpu.memory_space<vmem_shared>>
      tpu.wait_indirect_dma semaphore(%arg22 : memref<!tpu.dma_semaphore, #tpu.memory_space<semaphore_mem>>) src(%dma_wait3A_152 : memref<10112xf32, #tpu.memory_space<vmem_shared>>) dst(%arg15 : memref<128xf32, #tpu.memory_space<vmem>>)
      %lt3A_153 = arith.constant 40 : i32
      %lt3A_154 = arith.cmpi slt, %add3A_136, %lt3A_153 : i32
      %convert_element_type3A_155 = arith.extui %lt3A_154 : i1 to i32
      %cond3A_156 = arith.constant 0 : i32
      %cond3A_157 = arith.cmpi ne, %convert_element_type3A_155, %cond3A_156 : i32
      scf.if %cond3A_157 {
        %dma_start3A_158 = arith.constant 0 : i32
        %dma_start3A_159 = tpu.memref_slice %arg11[%add3A_136, %dma_start3A_158] : memref<40x128xi32, #tpu.memory_space<vmem>> -> memref<1x128xi32, #tpu.memory_space<vmem>>
        %dma_start3A_160 = tpu.memref_squeeze %dma_start3A_159 : memref<1x128xi32, #tpu.memory_space<vmem>> -> memref<128xi32, #tpu.memory_space<vmem>>
        %dma_start3A_161 = arith.constant 0 : i32
        %dma_start3A_162 = tpu.memref_slice %arg18[%dma_start3A_161] : memref<10112xf32, #tpu.memory_space<vmem_shared>> -> memref<10112xf32, #tpu.memory_space<vmem_shared>>
        tpu.enqueue_indirect_dma source(%dma_start3A_162 : memref<10112xf32, #tpu.memory_space<vmem_shared>>) target(%arg15 : memref<128xf32, #tpu.memory_space<vmem>>) offsets(%dma_start3A_160 : memref<128xi32, #tpu.memory_space<vmem>>) semaphore(%arg22 : memref<!tpu.dma_semaphore, #tpu.memory_space<semaphore_mem>>)
      } else {
      }
      "tpu.region"() ({
        %run_scoped3A = tpu.sem_alloc : memref<!tpu.dma_semaphore, #tpu.memory_space<semaphore_mem>>
        %dma_start3A_158 = arith.constant 0 : i32
        %dma_start3A_159 = tpu.memref_slice %arg10[%add3A_134, %dma_start3A_158] : memref<40x128xi32, #tpu.memory_space<vmem>> -> memref<1x128xi32, #tpu.memory_space<vmem>>
        %dma_start3A_160 = tpu.memref_squeeze %dma_start3A_159 : memref<1x128xi32, #tpu.memory_space<vmem>> -> memref<128xi32, #tpu.memory_space<vmem>>
        %dma_start3A_161 = arith.constant 0 : i32
        %dma_start3A_162 = tpu.memref_slice %arg17[%dma_start3A_161] : memref<10112xf32, #tpu.memory_space<vmem_shared>> -> memref<10112xf32, #tpu.memory_space<vmem_shared>>
        tpu.enqueue_indirect_dma source(%arg15 : memref<128xf32, #tpu.memory_space<vmem>>) target(%dma_start3A_162 : memref<10112xf32, #tpu.memory_space<vmem_shared>>) offsets(%dma_start3A_160 : memref<128xi32, #tpu.memory_space<vmem>>) semaphore(%run_scoped3A : memref<!tpu.dma_semaphore, #tpu.memory_space<semaphore_mem>>) {add = true}
        %dma_wait3A_163 = arith.constant 0 : i32
        %dma_wait3A_164 = tpu.memref_slice %arg10[%add3A_134, %dma_wait3A_163] : memref<40x128xi32, #tpu.memory_space<vmem>> -> memref<1x128xi32, #tpu.memory_space<vmem>>
        %dma_wait3A_165 = tpu.memref_squeeze %dma_wait3A_164 : memref<1x128xi32, #tpu.memory_space<vmem>> -> memref<128xi32, #tpu.memory_space<vmem>>
        %dma_wait3A_166 = arith.constant 0 : i32
        %dma_wait3A_167 = tpu.memref_slice %arg17[%dma_wait3A_166] : memref<10112xf32, #tpu.memory_space<vmem_shared>> -> memref<10112xf32, #tpu.memory_space<vmem_shared>>
        tpu.wait_indirect_dma semaphore(%run_scoped3A : memref<!tpu.dma_semaphore, #tpu.memory_space<semaphore_mem>>) src(%arg15 : memref<128xf32, #tpu.memory_space<vmem>>) dst(%dma_wait3A_167 : memref<10112xf32, #tpu.memory_space<vmem_shared>>)
        tpu.yield
      }) : () -> ()
    }
    %scan3A_98 = arith.constant 20 : i32
    %barrier3A_99 = arith.constant 0 : index
    tpu.barrier barrier_id(%barrier3A_99)
    %mul3A_100 = arith.constant 632 : i32
    %mul3A_101 = arith.muli %arg1, %mul3A_100 : i32
    %mul3A_102 = arith.constant 632 : i32
    %mul3A_103 = arith.muli %arg1, %mul3A_102 : i32
    "tpu.region"() ({
      %run_scoped3A = tpu.sem_alloc : memref<!tpu.dma_semaphore, #tpu.memory_space<semaphore_mem>>
      %dma_start3A_109 = arith.constant 0 : i32
      %dma_start3A_110 = tpu.memref_slice %arg8[%arg0, %mul3A_103, %dma_start3A_109] : memref<2x10112x128xf32, #tpu.memory_space<hbm>> -> memref<1x632x128xf32, #tpu.memory_space<hbm>>
      %dma_start3A_111 = tpu.memref_squeeze %dma_start3A_110 : memref<1x632x128xf32, #tpu.memory_space<hbm>> -> memref<632x128xf32, #tpu.memory_space<hbm>>
      %dma_start3A_112 = arith.constant 0 : i32
      %dma_start3A_113 = tpu.memref_slice %arg16[%mul3A_101, %dma_start3A_112] : memref<10112x128xf32, #tpu.memory_space<vmem_shared>> -> memref<632x128xf32, #tpu.memory_space<vmem_shared>>
      tpu.enqueue_dma source(%dma_start3A_113 : memref<632x128xf32, #tpu.memory_space<vmem_shared>>) target(%dma_start3A_111 : memref<632x128xf32, #tpu.memory_space<hbm>>) target_semaphore(%run_scoped3A : memref<!tpu.dma_semaphore, #tpu.memory_space<semaphore_mem>>)
      %dma_wait3A = arith.constant 0 : i32
      %dma_wait3A_114 = tpu.memref_slice %arg8[%arg0, %mul3A_103, %dma_wait3A] : memref<2x10112x128xf32, #tpu.memory_space<hbm>> -> memref<1x632x128xf32, #tpu.memory_space<hbm>>
      %dma_wait3A_115 = tpu.memref_squeeze %dma_wait3A_114 : memref<1x632x128xf32, #tpu.memory_space<hbm>> -> memref<632x128xf32, #tpu.memory_space<hbm>>
      %dma_wait3A_116 = arith.constant 0 : i32
      %dma_wait3A_117 = tpu.memref_slice %arg16[%mul3A_101, %dma_wait3A_116] : memref<10112x128xf32, #tpu.memory_space<vmem_shared>> -> memref<632x128xf32, #tpu.memory_space<vmem_shared>>
      tpu.wait_dma2 semaphore(%run_scoped3A : memref<!tpu.dma_semaphore, #tpu.memory_space<semaphore_mem>>) src(%dma_wait3A_117 : memref<632x128xf32, #tpu.memory_space<vmem_shared>>) dst(%dma_wait3A_115 : memref<632x128xf32, #tpu.memory_space<hbm>>)
      tpu.yield
    }) : () -> ()
    %eq3A_104 = arith.constant 0 : i32
    %eq3A_105 = arith.cmpi eq, %arg1, %eq3A_104 : i32
    %convert_element_type3A_106 = arith.extui %eq3A_105 : i1 to i32
    %cond3A_107 = arith.constant 0 : i32
    %cond3A_108 = arith.cmpi ne, %convert_element_type3A_106, %cond3A_107 : i32
    scf.if %cond3A_108 {
      "tpu.region"() ({
        %run_scoped3A = tpu.sem_alloc : memref<!tpu.dma_semaphore, #tpu.memory_space<semaphore_mem>>
        %dma_start3A_109 = arith.constant 0 : i32
        %dma_start3A_110 = tpu.memref_slice %arg9[%arg0, %dma_start3A_109] : memref<2x10112xf32, #tpu.memory_space<hbm>> -> memref<1x10112xf32, #tpu.memory_space<hbm>>
        %dma_start3A_111 = tpu.memref_squeeze %dma_start3A_110 : memref<1x10112xf32, #tpu.memory_space<hbm>> -> memref<10112xf32, #tpu.memory_space<hbm>>
        tpu.enqueue_dma source(%arg17 : memref<10112xf32, #tpu.memory_space<vmem_shared>>) target(%dma_start3A_111 : memref<10112xf32, #tpu.memory_space<hbm>>) target_semaphore(%run_scoped3A : memref<!tpu.dma_semaphore, #tpu.memory_space<semaphore_mem>>)
        %dma_wait3A = arith.constant 0 : i32
        %dma_wait3A_112 = tpu.memref_slice %arg9[%arg0, %dma_wait3A] : memref<2x10112xf32, #tpu.memory_space<hbm>> -> memref<1x10112xf32, #tpu.memory_space<hbm>>
        %dma_wait3A_113 = tpu.memref_squeeze %dma_wait3A_112 : memref<1x10112xf32, #tpu.memory_space<hbm>> -> memref<10112xf32, #tpu.memory_space<hbm>>
        tpu.wait_dma2 semaphore(%run_scoped3A : memref<!tpu.dma_semaphore, #tpu.memory_space<semaphore_mem>>) src(%arg17 : memref<10112xf32, #tpu.memory_space<vmem_shared>>) dst(%dma_wait3A_113 : memref<10112xf32, #tpu.memory_space<hbm>>)
        tpu.yield
      }) : () -> ()
    } else {
    }
    return
  }
}

module attributes {stable_mosaic.version = 14 : i64} {
  func.func @_tc1_body(%arg0: memref<10000x128xf32, #tpu.memory_space<vmem>>, %arg1: memref<128x128xf32, #tpu.memory_space<vmem>>, %arg2: memref<2x10112xf32, #tpu.memory_space<vmem>>, %arg3: memref<10112xf32, #tpu.memory_space<vmem>>, %arg4: memref<10112x128xf32, #tpu.memory_space<vmem>>) attributes {dimension_semantics = [], scalar_prefetch = 0 : i64, scratch_operands = 0 : i64, tpu.core_type = #tpu.core_type<tc>} {
    %get3A = arith.constant 0 : index
    %get3A_0 = arith.constant 0 : index
    %get3A_1 = vector.load %arg2[%get3A, %get3A_0] : memref<2x10112xf32, #tpu.memory_space<vmem>>, vector<1x10112xf32>
    %get3A_2 = arith.constant 1 : index
    %get3A_3 = arith.constant 0 : index
    %get3A_4 = vector.load %arg2[%get3A_2, %get3A_3] : memref<2x10112xf32, #tpu.memory_space<vmem>>, vector<1x10112xf32>
    %add3A = arith.addf %get3A_1, %get3A_4 : vector<1x10112xf32>
    %add3A_5 = arith.constant 1.000000e+00 : f32
    %add3A_6 = vector.broadcast %add3A_5 : f32 to vector<1x10112xf32>
    %add3A_7 = arith.addf %add3A, %add3A_6 : vector<1x10112xf32>
    %rsqrt3A = math.rsqrt %add3A_7 : vector<1x10112xf32>
    %reshape3A = vector.shape_cast %rsqrt3A : vector<1x10112xf32> to vector<10112xf32>
    %swap3A = arith.constant 0 : index
    %swap3A_8 = vector.load %arg3[%swap3A] : memref<10112xf32, #tpu.memory_space<vmem>>, vector<10112xf32>
    tpu.vector_store %arg3[%swap3A], %reshape3A {strides = array<i32>} : memref<10112xf32, #tpu.memory_space<vmem>>, vector<10112xf32>,
    %transpose3A = tpu.transpose %rsqrt3A, [1, 0] : vector<1x10112xf32> -> vector<10112x1xf32>
    %get3A_9 = arith.constant 0 : index
    %get3A_10 = arith.constant 0 : index
    %get3A_11 = vector.load %arg0[%get3A_9, %get3A_10] : memref<10000x128xf32, #tpu.memory_space<vmem>>, vector<10000x128xf32>
    %slice3A = vector.extract_strided_slice %transpose3A {offsets = [0, 0], sizes = [10000, 1], strides = [1, 1]} : vector<10112x1xf32> to vector<10000x1xf32>
    %mul3A = vector.broadcast %slice3A : vector<10000x1xf32> to vector<10000x128xf32>
    %mul3A_12 = arith.mulf %get3A_11, %mul3A : vector<10000x128xf32>
    %get3A_13 = arith.constant 0 : index
    %get3A_14 = arith.constant 0 : index
    %get3A_15 = vector.load %arg1[%get3A_13, %get3A_14] : memref<128x128xf32, #tpu.memory_space<vmem>>, vector<128x128xf32>
    %dot_general3A = arith.constant dense<0.000000e+00> : vector<10000x128xf32>
    %dot_general3A_16 = tpu.matmul %mul3A_12, %get3A_15, %dot_general3A {dimension_numbers = #tpu.dot_dimension_numbers<[1], [0], [0], [1], [0, 0, 1, 1], [], []>, transpose_lhs_hint = false} : vector<10000x128xf32>, vector<128x128xf32>, vector<10000x128xf32> -> vector<10000x128xf32>
    %swap3A_17 = arith.constant 0 : index
    %swap3A_18 = arith.constant 0 : index
    %swap3A_19 = vector.load %arg4[%swap3A_17, %swap3A_18] : memref<10112x128xf32, #tpu.memory_space<vmem>>, vector<10000x128xf32>
    tpu.vector_store %arg4[%swap3A_17, %swap3A_18], %dot_general3A_16 {strides = array<i32>} : memref<10112x128xf32, #tpu.memory_space<vmem>>, vector<10000x128xf32>,
    %broadcast_in_dim3A = arith.constant 0.000000e+00 : f32
    %broadcast_in_dim3A_20 = vector.broadcast %broadcast_in_dim3A : f32 to vector<112x128xf32>
    %swap3A_21 = arith.constant 10000 : index
    %swap3A_22 = arith.constant 0 : index
    %swap3A_23 = vector.load %arg4[%swap3A_21, %swap3A_22] : memref<10112x128xf32, #tpu.memory_space<vmem>>, vector<112x128xf32>
    tpu.vector_store %arg4[%swap3A_21, %swap3A_22], %broadcast_in_dim3A_20 {strides = array<i32>} : memref<10112x128xf32, #tpu.memory_space<vmem>>, vector<112x128xf32>,
    return
  }
}

module attributes {stable_mosaic.version = 14 : i64} {
  func.func @_tc2_body(%arg0: memref<2x10112x128xf32, #tpu.memory_space<vmem>>, %arg1: memref<10112x128xf32, #tpu.memory_space<vmem>>, %arg2: memref<2x10112xf32, #tpu.memory_space<vmem>>, %arg3: memref<2x10112xf32, #tpu.memory_space<vmem>>, %arg4: memref<1x128xf32, #tpu.memory_space<vmem>>, %arg5: memref<128x128xf32, #tpu.memory_space<vmem>>, %arg6: memref<1x128xf32, #tpu.memory_space<vmem>>, %arg7: memref<1x128xf32, #tpu.memory_space<vmem>>) attributes {dimension_semantics = [], scalar_prefetch = 0 : i64, scratch_operands = 0 : i64, tpu.core_type = #tpu.core_type<tc>} {
    %get3A = arith.constant 0 : index
    %get3A_0 = arith.constant 0 : index
    %get3A_1 = arith.constant 0 : index
    %get3A_2 = vector.load %arg0[%get3A, %get3A_0, %get3A_1] : memref<2x10112x128xf32, #tpu.memory_space<vmem>>, vector<1x10112x128xf32>
    %get3A_3 = vector.shape_cast %get3A_2 : vector<1x10112x128xf32> to vector<10112x128xf32>
    %get3A_4 = arith.constant 1 : index
    %get3A_5 = arith.constant 0 : index
    %get3A_6 = arith.constant 0 : index
    %get3A_7 = vector.load %arg0[%get3A_4, %get3A_5, %get3A_6] : memref<2x10112x128xf32, #tpu.memory_space<vmem>>, vector<1x10112x128xf32>
    %get3A_8 = vector.shape_cast %get3A_7 : vector<1x10112x128xf32> to vector<10112x128xf32>
    %add3A = arith.addf %get3A_3, %get3A_8 : vector<10112x128xf32>
    %get3A_9 = arith.constant 0 : index
    %get3A_10 = arith.constant 0 : index
    %get3A_11 = vector.load %arg1[%get3A_9, %get3A_10] : memref<10112x128xf32, #tpu.memory_space<vmem>>, vector<10112x128xf32>
    %add3A_12 = arith.addf %add3A, %get3A_11 : vector<10112x128xf32>
    %get3A_13 = arith.constant 0 : index
    %get3A_14 = arith.constant 0 : index
    %get3A_15 = vector.load %arg2[%get3A_13, %get3A_14] : memref<2x10112xf32, #tpu.memory_space<vmem>>, vector<1x10112xf32>
    %get3A_16 = arith.constant 1 : index
    %get3A_17 = arith.constant 0 : index
    %get3A_18 = vector.load %arg2[%get3A_16, %get3A_17] : memref<2x10112xf32, #tpu.memory_space<vmem>>, vector<1x10112xf32>
    %add3A_19 = arith.addf %get3A_15, %get3A_18 : vector<1x10112xf32>
    %add3A_20 = arith.constant 1.000000e+00 : f32
    %add3A_21 = vector.broadcast %add3A_20 : f32 to vector<1x10112xf32>
    %add3A_22 = arith.addf %add3A_19, %add3A_21 : vector<1x10112xf32>
    %rsqrt3A = math.rsqrt %add3A_22 : vector<1x10112xf32>
    %transpose3A = tpu.transpose %rsqrt3A, [1, 0] : vector<1x10112xf32> -> vector<10112x1xf32>
    %mul3A = vector.broadcast %transpose3A : vector<10112x1xf32> to vector<10112x128xf32>
    %mul3A_23 = arith.mulf %mul3A, %add3A_12 : vector<10112x128xf32>
    %get3A_24 = arith.constant 0 : index
    %get3A_25 = arith.constant 0 : index
    %get3A_26 = vector.load %arg4[%get3A_24, %get3A_25] : memref<1x128xf32, #tpu.memory_space<vmem>>, vector<1x128xf32>
    %add3A_27 = vector.broadcast %get3A_26 : vector<1x128xf32> to vector<10112x128xf32>
    %add3A_28 = arith.addf %mul3A_23, %add3A_27 : vector<10112x128xf32>
    %max3A = arith.constant 0.000000e+00 : f32
    %max3A_29 = vector.broadcast %max3A : f32 to vector<10112x128xf32>
    %max3A_30 = arith.maximumf %add3A_28, %max3A_29 : vector<10112x128xf32>
    %get3A_31 = arith.constant 0 : index
    %get3A_32 = arith.constant 0 : index
    %get3A_33 = vector.load %arg3[%get3A_31, %get3A_32] : memref<2x10112xf32, #tpu.memory_space<vmem>>, vector<1x10112xf32>
    %get3A_34 = arith.constant 1 : index
    %get3A_35 = arith.constant 0 : index
    %get3A_36 = vector.load %arg3[%get3A_34, %get3A_35] : memref<2x10112xf32, #tpu.memory_space<vmem>>, vector<1x10112xf32>
    %add3A_37 = arith.addf %get3A_33, %get3A_36 : vector<1x10112xf32>
    %add3A_38 = arith.addf %add3A_37, %rsqrt3A : vector<1x10112xf32>
    %mul3A_39 = arith.mulf %rsqrt3A, %add3A_38 : vector<1x10112xf32>
    %mul3A_40 = arith.constant 9.99999974E-5 : f32
    %mul3A_41 = vector.broadcast %mul3A_40 : f32 to vector<1x10112xf32>
    %mul3A_42 = arith.mulf %mul3A_39, %mul3A_41 : vector<1x10112xf32>
    %iota3A = tpu.iota {dimensions = array<i32: 1>} : vector<1x10112xi32>
    %lt3A = arith.constant 10000 : i32
    %lt3A_43 = vector.broadcast %lt3A : i32 to vector<1x10112xi32>
    %lt3A_44 = arith.cmpi slt, %iota3A, %lt3A_43 : vector<1x10112xi32>
    %jit3A = arith.constant 0.000000e+00 : f32
    %broadcast_in_dim3A = vector.broadcast %jit3A : f32 to vector<1x10112xf32>
    %select_n3A = arith.select %lt3A_44, %mul3A_42, %broadcast_in_dim3A : vector<1x10112xi1>, vector<1x10112xf32>
    %dot_general3A = arith.constant dense<0.000000e+00> : vector<1x128xf32>
    %dot_general3A_45 = tpu.matmul %select_n3A, %max3A_30, %dot_general3A {dimension_numbers = #tpu.dot_dimension_numbers<[1], [0], [0], [1], [0, 0, 1, 1], [], []>, transpose_lhs_hint = false} : vector<1x10112xf32>, vector<10112x128xf32>, vector<1x128xf32> -> vector<1x128xf32>
    %get3A_46 = arith.constant 0 : index
    %get3A_47 = arith.constant 0 : index
    %get3A_48 = vector.load %arg5[%get3A_46, %get3A_47] : memref<128x128xf32, #tpu.memory_space<vmem>>, vector<128x128xf32>
    %dot_general3A_49 = arith.constant dense<0.000000e+00> : vector<1x128xf32>
    %dot_general3A_50 = tpu.matmul %dot_general3A_45, %get3A_48, %dot_general3A_49 {dimension_numbers = #tpu.dot_dimension_numbers<[1], [0], [0], [1], [0, 0, 1, 1], [], []>, transpose_lhs_hint = false} : vector<1x128xf32>, vector<128x128xf32>, vector<1x128xf32> -> vector<1x128xf32>
    %get3A_51 = arith.constant 0 : index
    %get3A_52 = arith.constant 0 : index
    %get3A_53 = vector.load %arg6[%get3A_51, %get3A_52] : memref<1x128xf32, #tpu.memory_space<vmem>>, vector<1x128xf32>
    %add3A_54 = arith.addf %dot_general3A_50, %get3A_53 : vector<1x128xf32>
    %swap3A = arith.constant 0 : index
    %swap3A_55 = arith.constant 0 : index
    %swap3A_56 = vector.load %arg7[%swap3A, %swap3A_55] : memref<1x128xf32, #tpu.memory_space<vmem>>, vector<1x128xf32>
    tpu.vector_store %arg7[%swap3A, %swap3A_55], %add3A_54 {strides = array<i32>} : memref<1x128xf32, #tpu.memory_space<vmem>>, vector<1x128xf32>,
    return
  }
}

</mosaic_0001>

<sc_bundles>
// kernel: kernel.6.cloned.1.call-start
scs
__scs_entry_jumppad:
0x0: {  	(pc) =	sbr.rel $0x88, $3  }
0x1: {  	(tag) =	ssettag $0x0;
	lr =	simm.s32 $0x1  }
0x2: {  	[smem:$0x3F9B] =	sst lr;
	_ =	strace $0xD0000000  }
0x3: {  	_ = 	snop  }
0x4: {  	_ = 	snop  }
0x5: {  	_ = 	snop  }
0x6: {  	_ = 	snop  }
0x7: {  	_ = 	snop  }
__scs_overlays_trampoline_lowered:
0x8: {  	[smem:$0x3FAA] =	sst s0  }
0x9: {  	[smem:$0x3FAB] =	sst s1  }
0xa: {  	[smem:$0x3FAC] =	sst s2  }
0xb: {  	[smem:$0x3FAD] =	sst s3  }
0xc: {  	[smem:$0x3FAE] =	sst s4  }
0xd: {  	[smem:$0x3FAF] =	sst s5  }
0xe: {  	[smem:$0x3FB0] =	sst s6  }
0xf: {  	[smem:$0x3FB1] =	sst s7  }
0x10: {  	[smem:$0x3FB2] =	sst s8  }
0x11: {  	[smem:$0x3FB3] =	sst s9;
	s0 =	simm.s32 @!p0 $0x0  }
0x12: {  	s1 =	sld [smem:$0x3F99];
	s0 =	simm.s32 @p0 $0x1  }
0x13: {  	[smem:$0x3FB4] =	sst s0;
	s0 =	simm.s32 @!p1 $0x0  }
0x14: {  	s2 =	sld [smem:$0x3F98];
	s0 =	simm.s32 @p1 $0x1  }
0x15: {  	[smem:$0x3FB5] =	sst s0;
	s0 =	simm.s32 @!p2 $0x0  }
0x16: {  	s3 =	sld [smem:$0x3FDB];
	s0 =	simm.s32 @p2 $0x1  }
0x17: {  	s4 =	simm.s32 $0x1BF5;
	[smem:$0x3FB7] =	sst s0  }
0x18: {  	s0 =	sld [smem:$0x3F9A];
	_ =	swait.ge [sflag:s4], $0x0  }
0x19: {  	s7 =	sld [smem:$0x3F9B]  }
0x1a: {  	s8 =	sadd.s32 $0xFFFFE003, lr  }
0x1b: {  	s9 =	sadd.s32 $0xFFFFFEF7, lr;
	s5 =	simm.s32 $0xFFFFFFFF;
	p2 =	slt.u32 s8, $0xFFFFF086  }
0x1c: {  	p1 =	slt.u32 s9, $0xF7A;
	s5 =	simm.s32 @!p2 $0x0  }
0x1d: {  	s5 =	simm.s32 @p1 $0x1;
	p0 =	seq.s32 s7, s2  }
0x1e: {  	s7 =	smul.u32 @!p0 $0xF7A, s2;
	p2 =	seq.s32 @!p0 s5, $0x0  }
0x1f: {  	s9 =	smul.u32 $0xF7A, s1;
	s8 =	simm.s32 @!p0 $0x1BF5;
	p2 =	por !p2, p0  }
0x20: {  	[sflag:s8] =	ssyncset.s32 @!p0 $0xFFFFF086;
	s6 =	sadd.s32 @!p0 s3, s7;
	s7 =	simm.s32 @!p0 $0x108  }
0x21: {  	s3 =	sadd.s32 s3, s9;
	s6 =	sadd.s32 @!p0 $0x88, s6;
	s7 =	simm.s32 @p2 $0x1082  }
0x22: {  	[simem:s7], [sflag:s8] =	dma.local @!p0 [hbm:s6], $0xF7A  }
0x23: {  	s9 =	sor.u32 $0xD0000000, s2;
	s6 =	simm.s32 $0x108;
	_ =	swait.ge @!p0 [sflag:s8], $0x0  }
0x24: {  	s3 =	sadd.s32 $0x88, s3;
	s6 =	simm.s32 @!p1 $0x1082;
	[sflag:s4] =	ssyncset.s32 $0xFFFFF086  }
0x25: {  	[simem:s6], [sflag:s4] =	dma.local [hbm:s3], $0xF7A  }
0x26: {  	[smem:$0x3F9B] =	sst s1;
	(tag) =	ssettag s2;
	_ =	strace s9  }
0x27: {  	s1 =	sld [smem:$0x3FAB]  }
0x28: {  	s2 =	sld [smem:$0x3FAC]  }
0x29: {  	s4 =	sld [smem:$0x3FAE]  }
0x2a: {  	p0 =	seq.s32 s5, $0x0;
	s5 =	sld [smem:$0x3FAF]  }
0x2b: {  	s6 =	sld [smem:$0x3FB0]  }
0x2c: {  	s7 =	sld [smem:$0x3FB1]  }
0x2d: {  	s3 =	simm.s32 $0x108;
	s8 =	sld [smem:$0x3FB2]  }
0x2e: {  	s3 =	simm.s32 @!p0 $0x1082;
	s9 =	sld [smem:$0x3FB3]  }
0x2f: {  	lr =	sadd.s32 s0, s3;
	s0 =	sld [smem:$0x3FAA]  }
0x30: {  	s3 =	sld [smem:$0x3FAD]  }
0x31: {  	[smem:$0x3FB6] =	sst s10  }
0x32: {  	s10 =	sld [smem:$0x3FB4];
	_ =	sdelay $0x3  }
0x33: {  	p0 =	seq.s32 s10, $0x1;
	s10 =	sld [smem:$0x3FB6];
	_ =	sdelay $0x3  }
0x34: {  	[smem:$0x3FB6] =	sst s10  }
0x35: {  	s10 =	sld [smem:$0x3FB5];
	_ =	sdelay $0x3  }
0x36: {  	p1 =	seq.s32 s10, $0x1;
	s10 =	sld [smem:$0x3FB6];
	_ =	sdelay $0x3  }
0x37: {  	[smem:$0x3FB6] =	sst s10  }
0x38: {  	s10 =	sld [smem:$0x3FB7]  }
0x39: {  	_ = 	snop;
	(pc) =	sbr.ind lr, $3  }
0x3a: {  	_ = 	snop  }
0x3b: {  	_ = 	snop  }
0x3c: {  	p2 =	seq.s32 s10, $0x1;
	s10 =	sld [smem:$0x3FB6]  }
0x3d: {  	_ =	shalt  }
0x3e: {  	_ =	shalt  }
0x3f: {  	_ =	shalt  }
0x40: {  	_ =	shalt  }
0x41: {  	_ =	shalt  }
0x42: {  	_ =	shalt  }
0x43: {  	_ =	shalt  }
0x44: {  	_ =	shalt  }
0x45: {  	_ =	shalt  }
0x46: {  	_ =	shalt  }
0x47: {  	_ =	shalt  }
0x48: {  	_ =	shalt  }
0x49: {  	_ =	shalt  }
0x4a: {  	_ =	shalt  }
0x4b: {  	_ =	shalt  }
0x4c: {  	_ =	shalt  }
0x4d: {  	_ =	shalt  }
0x4e: {  	_ =	shalt  }
0x4f: {  	_ =	shalt  }
0x50: {  	_ =	shalt  }
0x51: {  	_ =	shalt  }
0x52: {  	_ =	shalt  }
0x53: {  	_ =	shalt  }
0x54: {  	_ =	shalt  }
0x55: {  	_ =	shalt  }
0x56: {  	_ =	shalt  }
0x57: {  	_ =	shalt  }
0x58: {  	_ =	shalt  }
0x59: {  	_ =	shalt  }
0x5a: {  	_ =	shalt  }
0x5b: {  	_ =	shalt  }
0x5c: {  	_ =	shalt  }
0x5d: {  	_ =	shalt  }
0x5e: {  	_ =	shalt  }
0x5f: {  	_ =	shalt  }
0x60: {  	_ =	shalt  }
0x61: {  	_ =	shalt  }
0x62: {  	_ =	shalt  }
0x63: {  	_ =	shalt  }
0x64: {  	_ =	shalt  }
0x65: {  	_ =	shalt  }
0x66: {  	_ =	shalt  }
0x67: {  	_ =	shalt  }
0x68: {  	_ =	shalt  }
0x69: {  	_ =	shalt  }
0x6a: {  	_ =	shalt  }
0x6b: {  	_ =	shalt  }
0x6c: {  	_ =	shalt  }
0x6d: {  	_ =	shalt  }
0x6e: {  	_ =	shalt  }
0x6f: {  	_ =	shalt  }
0x70: {  	_ =	shalt  }
0x71: {  	_ =	shalt  }
0x72: {  	_ =	shalt  }
0x73: {  	_ =	shalt  }
0x74: {  	_ =	shalt  }
0x75: {  	_ =	shalt  }
0x76: {  	_ =	shalt  }
0x77: {  	_ =	shalt  }
0x78: {  	_ =	shalt  }
0x79: {  	_ =	shalt  }
0x7a: {  	_ =	shalt  }
0x7b: {  	_ =	shalt  }
0x7c: {  	_ =	shalt  }
0x7d: {  	_ =	shalt  }
0x7e: {  	_ =	shalt  }
0x7f: {  	_ =	shalt  }
0x80: {  	_ =	shalt  }
0x81: {  	_ =	shalt  }
0x82: {  	_ =	shalt  }
0x83: {  	_ =	shalt  }
0x84: {  	_ =	shalt  }
0x85: {  	_ =	shalt  }
0x86: {  	_ =	shalt  }
0x87: {  	_ =	shalt  }
.Lfunc_end0:
.L_simem_size_0:
called_computation_lowered:
.L_overlay_start_0:
0x88: {  	s2 =	sld [smem:$0x3FD9]  }
0x89: {  	s3 =	sld [smem:$0x3FFE];
	_ =	sdelay $0x1  }
0x8a: {  	s1 =	srdreg.scid  }
0x8b: {  	s0 =	sand.u32 $0x1, s1  }
0x8c: {  	s17 =	sshll.u32 s0, $0xA;
	s2 =	sadd.s32 s3, s2  }
0x8d: {  	s2 =	sadd.s32 s2, s17  }
0x8e: {  	[smem:$0x3FC2] =	sst s2  }
0x8f: {  	_ = 	snop  }
0x90: {  	s2 =	sld [smem:$0x3FC8];
	(tm) =	ssettm $0x1  }
0x91: {  	s18 =	sld [smem:$0x3FFB];
	_ =	sdelay $0x3  }
0x92: {  	_ =	strace s18  }
0x93: {  	s3 =	sld [smem:$0x3FFC];
	_ =	sdelay $0x3  }
0x94: {  	_ =	strace s3  }
0x95: {  	s3 =	sld [smem:$0x3FFD];
	_ =	sdelay $0x3  }
0x96: {  	_ =	strace s3  }
0x97: {  	_ =	strace $0x8FFFFFFF  }
0x98: {  	s19 =	sld [smem:$0x3FDB];
	_ =	sdelay $0x1  }
0x99: {  	s4 =	simm.s32 $_scs_section_size  }
0x9a: {  	s5 =	simm.s32 $_size__tile_overlayer_lowered;
	s6 =	simm.s32 $_tile_overlayer_lowered  }
0x9b: {  	s22 =	simm.s32 $0x1BFF;
	s21 =	sshll.u32 s6, $0x1;
	s3 =	sadd.s32 s4, s19  }
0x9c: {  	s7 =	simm.s32 $0x0;
	s20 =	sshll.u32 s5, $0x1;
	s5 =	sadd.s32 s21, s3  }
0x9d: {  	[timem:s7], [sflag:s22] =	dma.local [hbm:s5], s20  }
0x9e: {  	_ =	swait.ge [sflag:s22], s20  }
0x9f: {  	s4 =	ssub.s32 $0x0, s20;
	[sflag:s22] =	ssyncset.done $0x0  }
0xa0: {  	[sflag:s22] =	ssyncadd.s32 s4;
	_ =	sdelay $0x1  }
0xa1: {  	s23 =	simm.s32 $0x1B8B  }
0xa2: {  	_ =	swait.ge [sflag:s23], $0x1  }
0xa3: {  	[sflag:s23] =	ssyncset.done $0x0  }
0xa4: {  	s25 =	simm.s32 $0x1B8E;
	s24 =	sld [smem:$0x3FFE];
	[sflag:s23] =	ssyncadd.s32 $0xFFFFFFFF  }
0xa5: {  	s26 =	simm.s32 $execute0_lowered;
	[smem:$0x3FD2] =	sst s25  }
0xa6: {  	s5 =	sshll.u32 s26, $0x1;
	_ =	strace $0x80000046;
	[dreg:$0x1] =	wrdreg $0xFFFFFFFF  }
0xa7: {  	s28 =	simm.s32 $_size_execute0_lowered;
	s3 =	sadd.s32 s3, s5;
	[dreg:$0x0] =	wrdreg $0x0  }
0xa8: {  	s5 =	sshll.u32 s28, $0x1;
	[dreg:$0x2] =	wrdreg s3  }
0xa9: {  	[dreg:$0x3] =	wrdreg s5  }
0xaa: {  	[dreg:$0x4] =	wrdreg $0xC0  }
0xab: {  	_ =	task [dreg:s7], $0x5FFFF  }
0xac: {  	[dreg:$0x1] =	wrdreg $0xFFFFFFFF  }
0xad: {  	[dreg:$0x0] =	wrdreg $0x60  }
0xae: {  	[dreg:$0x2] =	wrdreg s2  }
0xaf: {  	[dreg:$0x3] =	wrdreg s24  }
0xb0: {  	[dreg:$0x4] =	wrdreg $0x28800  }
0xb1: {  	[dreg:$0x5] =	wrdreg $0x9  }
0xb2: {  	_ =	task.clear_ibuf [dreg:s7], $0x6FFFF;
	_ =	strace $0x90000046  }
0xb3: {  	s29 =	simm.s32 $0x9;
	_ =	strace $0x80000048  }
0xb4: {  	_ =	swait.ge [sflag:s29], $0x1  }
0xb5: {  	[sflag:s29] =	ssyncadd.s32 $0xFFFFFFFF  }
0xb6: {  	_ =	strace $0x90000048  }
0xb7: {  	_ =	sfence  }
0xb8: {  	s30 =	sld [smem:$0x0];
	_ =	sdelay $0x2  }
0xb9: {  	s31 =	sshll.u32 s1, $0xD;
	s1 =	sshrl.u32 s1, $0x2  }
0xba: {  	s3 =	sand.u32 $0x4000, s31;
	s1 =	sadd.s32 s1, s30  }
0xbb: {  	s0 =	sor.u32 s3, s0;
	s1 =	sshll.u32 s1, $0x11  }
0xbc: {  	s0 =	sor.u32 s1, s0  }
0xbd: {  	s0 =	sadd.s32 $0x8F2B, s0  }
0xbe: {  	[sflag:s0] =	ssyncadd.remote.s32 $0x1  }
0xbf: {  	_ =	sfence.sel $0xFFFF  }
0xc0: {  	[dreg:$0x0] =	wrdreg $0xFFFFFFFF;
	(pc) =	sbr.abs _section_cstart, $3  }
0xc1: {  	[dreg:$0x1] =	wrdreg $0xFFFFFFFF  }
0xc2: {  	_ =	task.clear_ibuf [dreg:s7], $0x2FFFF;
	_ =	strace $0x9FFFFFFF  }
0xc3: {  	(tm) =	ssettm $0x7FFFFFFF  }
tec
execute0_lowered:
.L_overlay_start_1:
0x0: {  	(tag) =	ssettag $0x1  }
0x1: {  	s7 =	rddreg [dreg:$0x0]  }
0x2: {  	s5 =	rddreg [dreg:$0x1]  }
0x3: {  	s1 =	rddreg [dreg:$0x2]  }
0x4: {  	s0 =	rddreg [dreg:$0x3];
	s2 =	simm.s32 $0x0  }
0x5: {  	s4 =	srdreg.scid;
	s10 =	stileid.u32;
	s15 =	simm.s32 $0x0  }
0x6: {  	[smem:$0x7FF] =	sst s2;
	s3 =	sadd.s32 $0x2400, s5;
	s6 =	sand.u32 $0x1, s4  }
0x7: {  	s4 =	sadd.s32 $0x2800, s5;
	s9 =	smul.u32 $0x5000, s10;
	s13 =	sshll.u32 s10, $0x1  }
0x8: {  	s14 =	smul.u32 $0x1400, s10;
	p0 =	sne.s32 s10, $0x0;
	s10 =	simm.s32 $0x2  }
0x9: {  	_ =	strace $0x80000047;
	s8 =	sshll.u32 s6, $0x4;
	s11 =	smul.u32 $0x2800, s6  }
0xa: {  	s26 =	ssub.s32 $0x2, s6;
	s28 =	sor.u32 s6, s13;
	s29 =	smul.u32 $0xA00, s6  }
0xb: {  	s13 =	simm.s32 $0x2800;
	s8 =	sadd.s32 s8, s5;
	s12 =	sshrl.u32 s26, $0x1  }
0xc: {  	s5 =	smul.u32 $0x50, s28;
	s30 =	sadd.s32 s14, s7;
	s14 =	simm.s32 $0x1  }
0xd: {  	s12 =	ssub.s32 s26, s12;
	s6 =	sadd.s32 $0x2E00, s8;
	s9 =	sadd.s32 s11, s9  }
0xe: {  	s31 =	sadd.s32 s29, s30;
	s11 =	sshrl.u32 @!p0 s1, $0x3;
	s7 =	smax.u32 s12, $0x1  }
0xf: {  	v0 =	vimm.f32 $1.000000000e+00;
	s8 =	sadd.s32 $0xFFFB1E00, s9;
	s9 =	sadd.s32 $0x10, s31;
	s12 =	simm.s32 $0x80  }
.LBB2_1:
0x10: {  	s16 =	sadd.s32 $0x0, s5;
	s17 =	sshrl.u32 s8, $0x3  }
0x11: {  	p1 =	slt.u32 s16, $0x9C4;
	s16 =	sadd.s32 s3, s17  }
0x12: {  	s18 =	smov.u32 s9;
	s16 =	smov.u32 @p1 s9  }
0x13: {  	[tilespmem:s2], [sflag:$0x2] =	stream.linear.gather [hbm4b:s16+s2], $0x80, $0x38;
	[tilespmem:$0x2AF8] =	vst v63  }
0x14: {  	s19 =	simm.s32 $0x0;
	s17 =	smov.u32 s8;
	s16 =	simm.s32 $0x1  }
.LBB2_2:
0x15: {  	p1 =	sne.s32 s16, $0x4F  }
.Ltmp0:
0x16: {  	s20 =	sadd.s32 s16, s5;
	s17 =	sadd.s32 $0x80, s17;
	(pc) =	sbr.rel @p1 .LBB2_2-.Ltmp0, $4  }
0x17: {  	s16 =	sadd.s32 $0x1, s16;
	s21 =	sshrl.u32 s17, $0x3  }
0x18: {  	s18 =	sadd.s32 $0x20, s18;
	p2 =	slt.u32 s20, $0x9C4;
	s20 =	sadd.s32 s3, s21  }
0x19: {  	s19 =	sadd.s32 $0x80, s19;
	s20 =	smov.u32 @p2 s18  }
0x1a: {  	[tilespmem:s19], [sflag:$0x2] =	stream.linear.gather [hbm4b:s20+s2], $0x80, $0x38;
	[tilespmem:$0x2AF8] =	vst v63  }
0x1b: {  	_ =	swait.ge [sflag:s10], $0x80  }
0x1c: {  	s16 =	simm.s32 $0x4F;
	[sflag:s10] =	ssyncset.done $0x0  }
.LBB2_4:
0x1d: {  	p1 =	sne.s32 s16, $0x1;
	s16 =	sadd.s32 $0xFFFFFFFF, s16;
	[sflag:s10] =	ssyncadd.s32 $0xFFFFFF80  }
.Ltmp1:
0x1e: {  	(pc) =	sbr.rel @p1 .LBB2_4-.Ltmp1, $3  }
0x1f: {  	_ =	sdelay $0x1  }
0x20: {  	_ =	swait.ge [sflag:s10], $0x80  }
0x21: {  	[sflag:s10] =	ssyncset.done $0x0  }
0x22: {  	[sflag:s10] =	ssyncadd.s32 $0xFFFFFF80  }
0x23: {  	[tilespmem:$0x2800] =	vst v0  }
0x24: {  	[tilespmem:$0x2810] =	vst v0  }
0x25: {  	[tilespmem:$0x2820] =	vst v0  }
0x26: {  	[tilespmem:$0x2830] =	vst v0  }
0x27: {  	[tilespmem:$0x2840] =	vst v0  }
0x28: {  	[tilespmem:$0x2850] =	vst v0  }
0x29: {  	[tilespmem:$0x2860] =	vst v0  }
0x2a: {  	s16 =	simm.s32 @!p0 $0x1C03;
	[tilespmem:$0x2870] =	vst v0  }
0x2b: {  	[spmem:s11], [sflag:s16] =	dma.local @!p0 [hbm:s4], $0x4F0  }
0x2c: {  	s16 =	simm.s32 @!p0 $0x3  }
0x2d: {  	_ =	swait.ge @!p0 [sflag:s16], $0x4F0  }
0x2e: {  	[sflag:s16] =	ssyncset.done @!p0 $0x0  }
0x2f: {  	[sflag:s16] =	ssyncadd.s32 @!p0 $0xFFFFFB10  }
0x30: {  	s16 =	simm.s32 $0x0;
	[bflag:$0x0] =	sbarrier.arrive $0xFFFF  }
.LBB2_6:
0x31: {  	p1 =	sne.s32 s16, $0x9E00  }
.Ltmp2:
0x32: {  	_ = 	snop;
	(pc) =	sbr.rel @p1 .LBB2_6-.Ltmp2, $3  }
0x33: {  	_ =	sdelay $0x1  }
0x34: {  	s17 =	sshra.s32 s16, $0x2;
	s16 =	sadd.s32 $0x200, s16  }
0x35: {  	[spmem:s1] =	stream.indirect.scatter.add.f32 [tilespmem:s13], [sflag:$0x1], $0x1, s17, s12, $0xb8;
	[tilespmem:$0x2AF8] =	vst v63  }
0x36: {  	_ =	swait.ge [sflag:s14], $0x80  }
0x37: {  	s16 =	simm.s32 $0x4F;
	[sflag:s14] =	ssyncset.done $0x0  }
.LBB2_8:
0x38: {  	p1 =	sne.s32 s16, $0x1;
	s16 =	sadd.s32 $0xFFFFFFFF, s16;
	[sflag:s14] =	ssyncadd.s32 $0xFFFFFF80  }
.Ltmp3:
0x39: {  	(pc) =	sbr.rel @p1 .LBB2_8-.Ltmp3, $3  }
0x3a: {  	_ =	sdelay $0x1  }
0x3b: {  	_ =	swait.ge [sflag:s14], $0x80  }
0x3c: {  	[sflag:s14] =	ssyncset.done $0x0  }
0x3d: {  	[sflag:s14] =	ssyncadd.s32 $0xFFFFFF80;
	s16 =	simm.s32 @!p0 $0x1  }
0x3e: {  	s17 =	simm.s32 @!p0 $0x20;
	s18 =	simm.s32 @!p0 $0x10;
	s15 =	sadd.s32 $0x1, s15  }
0x3f: {  	s19 =	simm.s32 @!p0 $0x1C03;
	[bflag:$0x0] =	sbarrier.arrive $0xFFFF;
	p1 =	sne.s32 s15, s7  }
0x40: {  	[hbm:s6@s17], [sflag:s19] =	dma.strided @!p0 [spmem:s11@s18], $0x4F0, s16, $0x10   }
.Ltmp4:
0x41: {  	_ = 	snop;
	(pc) =	sbr.rel @p1 .LBB2_1-.Ltmp4, $4  }
0x42: {  	s16 =	simm.s32 @!p0 $0x3  }
0x43: {  	_ =	swait.ge @!p0 [sflag:s16], $0x4F0  }
0x44: {  	[sflag:s16] =	ssyncset.done @!p0 $0x0  }
0x45: {  	[sflag:s16] =	ssyncadd.s32 @!p0 $0xFFFFFB10  }
0x46: {  	_ =	sfence.sel $0x180000  }
0x47: {  	[bflag:$0x0] =	sbarrier.arrive $0xFFFF  }
0x48: {  	_ =	strace $0x90000047  }
0x49: {  	s0 =	sadd.s32 @!p0 $0x100000, s0;
	[bflag:$0x2] =	sbarrier.arrive $0xFFFF  }
0x4a: {  	[sflag:s0] =	ssyncadd.tile.s32 @!p0 $0x1;
	_ =	shalt  }
.Lfunc_end2:
_tile_overlayer_lowered:
.L_overlay_start_2:
0x4b: {  	(tag) =	ssettag $0x2  }
0x4c: {  	s0 =	rddreg [dreg:$0x0];
	s2 =	stileid.u32  }
0x4d: {  	s1 =	rddreg [dreg:$0x1];
	p0 =	sne.s32 s2, $0x0  }
0x4e: {  	s3 =	rddreg [dreg:$0x2];
	[bflag:$0x3] =	sbarrier.arrive $0xFFFF;
	s2 =	simm.s32 @!p0 $0x1C03  }
0x4f: {  	[timem:s3], [sflag:s2] =	dma.local @!p0 [hbm:s0], s1  }
0x50: {  	s0 =	simm.s32 @!p0 $0x3  }
0x51: {  	_ =	swait.ge @!p0 [sflag:s0], s1  }
0x52: {  	s1 =	ssub.s32 @!p0 $0x0, s1;
	[sflag:s0] =	ssyncset.done @!p0 $0x0  }
0x53: {  	[sflag:s0] =	ssyncadd.s32 @!p0 s1  }
0x54: {  	[bflag:$0x3] =	sbarrier.arrive $0xFFFF  }
0x55: {  	_ =	shalt  }

// kernel: kernel.9.cloned.1.call-start
scs
__scs_entry_jumppad:
0x0: {  	(pc) =	sbr.rel $0x88, $3  }
0x1: {  	(tag) =	ssettag $0x0;
	lr =	simm.s32 $0x1  }
0x2: {  	[smem:$0x3F9B] =	sst lr;
	_ =	strace $0xD0000000  }
0x3: {  	_ = 	snop  }
0x4: {  	_ = 	snop  }
0x5: {  	_ = 	snop  }
0x6: {  	_ = 	snop  }
0x7: {  	_ = 	snop  }
__scs_overlays_trampoline_lowered:
0x8: {  	[smem:$0x3FAA] =	sst s0  }
0x9: {  	[smem:$0x3FAB] =	sst s1  }
0xa: {  	[smem:$0x3FAC] =	sst s2  }
0xb: {  	[smem:$0x3FAD] =	sst s3  }
0xc: {  	[smem:$0x3FAE] =	sst s4  }
0xd: {  	[smem:$0x3FAF] =	sst s5  }
0xe: {  	[smem:$0x3FB0] =	sst s6  }
0xf: {  	[smem:$0x3FB1] =	sst s7  }
0x10: {  	[smem:$0x3FB2] =	sst s8  }
0x11: {  	[smem:$0x3FB3] =	sst s9;
	s0 =	simm.s32 @!p0 $0x0  }
0x12: {  	s1 =	sld [smem:$0x3F99];
	s0 =	simm.s32 @p0 $0x1  }
0x13: {  	[smem:$0x3FB4] =	sst s0;
	s0 =	simm.s32 @!p1 $0x0  }
0x14: {  	s2 =	sld [smem:$0x3F98];
	s0 =	simm.s32 @p1 $0x1  }
0x15: {  	[smem:$0x3FB5] =	sst s0;
	s0 =	simm.s32 @!p2 $0x0  }
0x16: {  	s3 =	sld [smem:$0x3FDB];
	s0 =	simm.s32 @p2 $0x1  }
0x17: {  	s4 =	simm.s32 $0x1BF5;
	[smem:$0x3FB7] =	sst s0  }
0x18: {  	s0 =	sld [smem:$0x3F9A];
	_ =	swait.ge [sflag:s4], $0x0  }
0x19: {  	s7 =	sld [smem:$0x3F9B]  }
0x1a: {  	s8 =	sadd.s32 $0xFFFFE003, lr  }
0x1b: {  	s9 =	sadd.s32 $0xFFFFFEF7, lr;
	s5 =	simm.s32 $0xFFFFFFFF;
	p2 =	slt.u32 s8, $0xFFFFF086  }
0x1c: {  	p1 =	slt.u32 s9, $0xF7A;
	s5 =	simm.s32 @!p2 $0x0  }
0x1d: {  	s5 =	simm.s32 @p1 $0x1;
	p0 =	seq.s32 s7, s2  }
0x1e: {  	s7 =	smul.u32 @!p0 $0xF7A, s2;
	p2 =	seq.s32 @!p0 s5, $0x0  }
0x1f: {  	s9 =	smul.u32 $0xF7A, s1;
	s8 =	simm.s32 @!p0 $0x1BF5;
	p2 =	por !p2, p0  }
0x20: {  	[sflag:s8] =	ssyncset.s32 @!p0 $0xFFFFF086;
	s6 =	sadd.s32 @!p0 s3, s7;
	s7 =	simm.s32 @!p0 $0x108  }
0x21: {  	s3 =	sadd.s32 s3, s9;
	s6 =	sadd.s32 @!p0 $0x88, s6;
	s7 =	simm.s32 @p2 $0x1082  }
0x22: {  	[simem:s7], [sflag:s8] =	dma.local @!p0 [hbm:s6], $0xF7A  }
0x23: {  	s9 =	sor.u32 $0xD0000000, s2;
	s6 =	simm.s32 $0x108;
	_ =	swait.ge @!p0 [sflag:s8], $0x0  }
0x24: {  	s3 =	sadd.s32 $0x88, s3;
	s6 =	simm.s32 @!p1 $0x1082;
	[sflag:s4] =	ssyncset.s32 $0xFFFFF086  }
0x25: {  	[simem:s6], [sflag:s4] =	dma.local [hbm:s3], $0xF7A  }
0x26: {  	[smem:$0x3F9B] =	sst s1;
	(tag) =	ssettag s2;
	_ =	strace s9  }
0x27: {  	s1 =	sld [smem:$0x3FAB]  }
0x28: {  	s2 =	sld [smem:$0x3FAC]  }
0x29: {  	s4 =	sld [smem:$0x3FAE]  }
0x2a: {  	p0 =	seq.s32 s5, $0x0;
	s5 =	sld [smem:$0x3FAF]  }
0x2b: {  	s6 =	sld [smem:$0x3FB0]  }
0x2c: {  	s7 =	sld [smem:$0x3FB1]  }
0x2d: {  	s3 =	simm.s32 $0x108;
	s8 =	sld [smem:$0x3FB2]  }
0x2e: {  	s3 =	simm.s32 @!p0 $0x1082;
	s9 =	sld [smem:$0x3FB3]  }
0x2f: {  	lr =	sadd.s32 s0, s3;
	s0 =	sld [smem:$0x3FAA]  }
0x30: {  	s3 =	sld [smem:$0x3FAD]  }
0x31: {  	[smem:$0x3FB6] =	sst s10  }
0x32: {  	s10 =	sld [smem:$0x3FB4];
	_ =	sdelay $0x3  }
0x33: {  	p0 =	seq.s32 s10, $0x1;
	s10 =	sld [smem:$0x3FB6];
	_ =	sdelay $0x3  }
0x34: {  	[smem:$0x3FB6] =	sst s10  }
0x35: {  	s10 =	sld [smem:$0x3FB5];
	_ =	sdelay $0x3  }
0x36: {  	p1 =	seq.s32 s10, $0x1;
	s10 =	sld [smem:$0x3FB6];
	_ =	sdelay $0x3  }
0x37: {  	[smem:$0x3FB6] =	sst s10  }
0x38: {  	s10 =	sld [smem:$0x3FB7]  }
0x39: {  	_ = 	snop;
	(pc) =	sbr.ind lr, $3  }
0x3a: {  	_ = 	snop  }
0x3b: {  	_ = 	snop  }
0x3c: {  	p2 =	seq.s32 s10, $0x1;
	s10 =	sld [smem:$0x3FB6]  }
0x3d: {  	_ =	shalt  }
0x3e: {  	_ =	shalt  }
0x3f: {  	_ =	shalt  }
0x40: {  	_ =	shalt  }
0x41: {  	_ =	shalt  }
0x42: {  	_ =	shalt  }
0x43: {  	_ =	shalt  }
0x44: {  	_ =	shalt  }
0x45: {  	_ =	shalt  }
0x46: {  	_ =	shalt  }
0x47: {  	_ =	shalt  }
0x48: {  	_ =	shalt  }
0x49: {  	_ =	shalt  }
0x4a: {  	_ =	shalt  }
0x4b: {  	_ =	shalt  }
0x4c: {  	_ =	shalt  }
0x4d: {  	_ =	shalt  }
0x4e: {  	_ =	shalt  }
0x4f: {  	_ =	shalt  }
0x50: {  	_ =	shalt  }
0x51: {  	_ =	shalt  }
0x52: {  	_ =	shalt  }
0x53: {  	_ =	shalt  }
0x54: {  	_ =	shalt  }
0x55: {  	_ =	shalt  }
0x56: {  	_ =	shalt  }
0x57: {  	_ =	shalt  }
0x58: {  	_ =	shalt  }
0x59: {  	_ =	shalt  }
0x5a: {  	_ =	shalt  }
0x5b: {  	_ =	shalt  }
0x5c: {  	_ =	shalt  }
0x5d: {  	_ =	shalt  }
0x5e: {  	_ =	shalt  }
0x5f: {  	_ =	shalt  }
0x60: {  	_ =	shalt  }
0x61: {  	_ =	shalt  }
0x62: {  	_ =	shalt  }
0x63: {  	_ =	shalt  }
0x64: {  	_ =	shalt  }
0x65: {  	_ =	shalt  }
0x66: {  	_ =	shalt  }
0x67: {  	_ =	shalt  }
0x68: {  	_ =	shalt  }
0x69: {  	_ =	shalt  }
0x6a: {  	_ =	shalt  }
0x6b: {  	_ =	shalt  }
0x6c: {  	_ =	shalt  }
0x6d: {  	_ =	shalt  }
0x6e: {  	_ =	shalt  }
0x6f: {  	_ =	shalt  }
0x70: {  	_ =	shalt  }
0x71: {  	_ =	shalt  }
0x72: {  	_ =	shalt  }
0x73: {  	_ =	shalt  }
0x74: {  	_ =	shalt  }
0x75: {  	_ =	shalt  }
0x76: {  	_ =	shalt  }
0x77: {  	_ =	shalt  }
0x78: {  	_ =	shalt  }
0x79: {  	_ =	shalt  }
0x7a: {  	_ =	shalt  }
0x7b: {  	_ =	shalt  }
0x7c: {  	_ =	shalt  }
0x7d: {  	_ =	shalt  }
0x7e: {  	_ =	shalt  }
0x7f: {  	_ =	shalt  }
0x80: {  	_ =	shalt  }
0x81: {  	_ =	shalt  }
0x82: {  	_ =	shalt  }
0x83: {  	_ =	shalt  }
0x84: {  	_ =	shalt  }
0x85: {  	_ =	shalt  }
0x86: {  	_ =	shalt  }
0x87: {  	_ =	shalt  }
.Lfunc_end0:
.L_simem_size_0:
called_computation.1_lowered:
.L_overlay_start_0:
0x88: {  	s2 =	sld [smem:$0x3FD9]  }
0x89: {  	s3 =	sld [smem:$0x3FFE];
	_ =	sdelay $0x1  }
0x8a: {  	s1 =	srdreg.scid  }
0x8b: {  	s0 =	sand.u32 $0x1, s1  }
0x8c: {  	s17 =	sshll.u32 s0, $0xA;
	s2 =	sadd.s32 s3, s2  }
0x8d: {  	s2 =	sadd.s32 s2, s17  }
0x8e: {  	[smem:$0x3FC2] =	sst s2  }
0x8f: {  	_ = 	snop  }
0x90: {  	s2 =	sld [smem:$0x3FC8];
	(tm) =	ssettm $0x1  }
0x91: {  	s18 =	sld [smem:$0x3FFB];
	_ =	sdelay $0x3  }
0x92: {  	_ =	strace s18  }
0x93: {  	s3 =	sld [smem:$0x3FFC];
	_ =	sdelay $0x3  }
0x94: {  	_ =	strace s3  }
0x95: {  	s3 =	sld [smem:$0x3FFD];
	_ =	sdelay $0x3  }
0x96: {  	_ =	strace s3  }
0x97: {  	_ =	strace $0x8FFFFFFF  }
0x98: {  	s19 =	sld [smem:$0x3FDB];
	_ =	sdelay $0x1  }
0x99: {  	s4 =	simm.s32 $_scs_section_size  }
0x9a: {  	s5 =	simm.s32 $_size__tile_overlayer_lowered;
	s6 =	simm.s32 $_tile_overlayer_lowered  }
0x9b: {  	s22 =	simm.s32 $0x1BFF;
	s21 =	sshll.u32 s6, $0x1;
	s3 =	sadd.s32 s4, s19  }
0x9c: {  	s7 =	simm.s32 $0x0;
	s20 =	sshll.u32 s5, $0x1;
	s5 =	sadd.s32 s21, s3  }
0x9d: {  	[timem:s7], [sflag:s22] =	dma.local [hbm:s5], s20  }
0x9e: {  	_ =	swait.ge [sflag:s22], s20  }
0x9f: {  	s4 =	ssub.s32 $0x0, s20;
	[sflag:s22] =	ssyncset.done $0x0  }
0xa0: {  	[sflag:s22] =	ssyncadd.s32 s4;
	_ =	sdelay $0x1  }
0xa1: {  	s23 =	simm.s32 $0x1B8B  }
0xa2: {  	_ =	swait.ge [sflag:s23], $0x1  }
0xa3: {  	[sflag:s23] =	ssyncset.done $0x0  }
0xa4: {  	s25 =	simm.s32 $0x1B8E;
	s24 =	sld [smem:$0x3FFE];
	[sflag:s23] =	ssyncadd.s32 $0xFFFFFFFF  }
0xa5: {  	s26 =	simm.s32 $execute0_lowered;
	[smem:$0x3FD2] =	sst s25  }
0xa6: {  	s5 =	sshll.u32 s26, $0x1;
	_ =	strace $0x80000049;
	[dreg:$0x1] =	wrdreg $0xFFFFFFFF  }
0xa7: {  	s28 =	simm.s32 $_size_execute0_lowered;
	s3 =	sadd.s32 s3, s5;
	[dreg:$0x0] =	wrdreg $0x0  }
0xa8: {  	s5 =	sshll.u32 s28, $0x1;
	[dreg:$0x2] =	wrdreg s3  }
0xa9: {  	[dreg:$0x3] =	wrdreg s5  }
0xaa: {  	[dreg:$0x4] =	wrdreg $0xC0  }
0xab: {  	_ =	task [dreg:s7], $0x5FFFF  }
0xac: {  	[dreg:$0x1] =	wrdreg $0xFFFFFFFF  }
0xad: {  	[dreg:$0x0] =	wrdreg $0x60  }
0xae: {  	[dreg:$0x2] =	wrdreg s2  }
0xaf: {  	[dreg:$0x3] =	wrdreg s24  }
0xb0: {  	[dreg:$0x4] =	wrdreg $0xA9000  }
0xb1: {  	[dreg:$0x5] =	wrdreg $0x1E5000  }
0xb2: {  	[dreg:$0x6] =	wrdreg $0x1E7780  }
0xb3: {  	[dreg:$0x7] =	wrdreg $0x9  }
0xb4: {  	_ =	task.clear_ibuf [dreg:s7], $0x8FFFF;
	_ =	strace $0x90000049  }
0xb5: {  	s29 =	simm.s32 $0x9;
	_ =	strace $0x8000004B  }
0xb6: {  	_ =	swait.ge [sflag:s29], $0x1  }
0xb7: {  	[sflag:s29] =	ssyncadd.s32 $0xFFFFFFFF  }
0xb8: {  	_ =	strace $0x9000004B  }
0xb9: {  	_ =	sfence  }
0xba: {  	s30 =	sld [smem:$0x0];
	_ =	sdelay $0x2  }
0xbb: {  	s31 =	sshll.u32 s1, $0xD;
	s1 =	sshrl.u32 s1, $0x2  }
0xbc: {  	s3 =	sand.u32 $0x4000, s31;
	s1 =	sadd.s32 s1, s30  }
0xbd: {  	s0 =	sor.u32 s3, s0;
	s1 =	sshll.u32 s1, $0x11  }
0xbe: {  	s0 =	sor.u32 s1, s0  }
0xbf: {  	s0 =	sadd.s32 $0x8F2B, s0  }
0xc0: {  	[sflag:s0] =	ssyncadd.remote.s32 $0x1  }
0xc1: {  	_ =	sfence.sel $0xFFFF  }
0xc2: {  	[dreg:$0x0] =	wrdreg $0xFFFFFFFF;
	(pc) =	sbr.abs _section_cstart, $3  }
0xc3: {  	[dreg:$0x1] =	wrdreg $0xFFFFFFFF  }
0xc4: {  	_ =	task.clear_ibuf [dreg:s7], $0x2FFFF;
	_ =	strace $0x9FFFFFFF  }
0xc5: {  	(tm) =	ssettm $0x7FFFFFFF  }
tec
execute0_lowered:
.L_overlay_start_1:
0x0: {  	(tag) =	ssettag $0x1  }
0x1: {  	s0 =	rddreg [dreg:$0x0]  }
0x2: {  	s7 =	rddreg [dreg:$0x1]  }
0x3: {  	s1 =	rddreg [dreg:$0x2]  }
0x4: {  	s2 =	rddreg [dreg:$0x3]  }
0x5: {  	s3 =	rddreg [dreg:$0x4]  }
0x6: {  	s8 =	stileid.u32;
	s5 =	srdreg.scid  }
0x7: {  	s4 =	simm.s32 $0x0;
	s28 =	simm.s32 $0x6800;
	s9 =	smul.u32 $0x13C00, s8  }
0x8: {  	s30 =	simm.s32 $0xA800;
	s11 =	sand.u32 $0x1, s5;
	s13 =	smul.u32 $0x4F000, s8  }
0x9: {  	[smem:$0x7FF] =	sst s4;
	s5 =	sadd.s32 $0x2400, s7;
	s14 =	smul.u32 $0x5000, s8  }
0xa: {  	s6 =	sadd.s32 $0x3400, s7;
	s12 =	sadd.s32 $0x2E00, s7;
	s19 =	smul.u32 $0x1400, s8  }
0xb: {  	s16 =	sadd.s32 $0x2800, s7;
	s20 =	sshll.u32 s8, $0x6;
	s21 =	smul.u32 $0xA0, s8  }
0xc: {  	p0 =	sne.s32 s8, $0x0;
	_ =	strace $0x8000004A;
	[dreg:$0x6] =	wrdreg s12  }
0xd: {  	s8 =	simm.s32 $0x3;
	s10 =	smul.u32 $0x13C000, s11;
	[dreg:$0x7] =	wrdreg s16  }
0xe: {  	s17 =	sshll.u32 s11, $0x4;
	s18 =	ssub.s32 $0x2, s11;
	s16 =	smul.u32 $0x2800, s11  }
0xf: {  	s22 =	smul.u32 $0x50, s11;
	s29 =	sshrl.u32 s9, $0x3;
	s15 =	sshrl.u32 s18, $0x1  }
0x10: {  	s13 =	sshrl.u32 s13, $0x2;
	s0 =	sadd.s32 s19, s0;
	s9 =	sadd.s32 s9, s10  }
0x11: {  	s31 =	sadd.s32 s29, s7;
	s12 =	ssub.s32 s18, s15;
	s13 =	sadd.s32 s13, s1  }
0x12: {  	s24 =	sadd.s32 s16, s14;
	s16 =	sadd.s32 s22, s21;
	s21 =	simm.s32 $0x7  }
0x13: {  	s22 =	sshrl.u32 @!p0 s2, $0x3;
	s9 =	sshrl.u32 s9, $0x3;
	s10 =	sadd.s32 $0x2AC00, s31  }
0x14: {  	s23 =	smax.u32 s12, $0x1;
	s25 =	sadd.s32 $0xFFFB1E00, s24;
	[dreg:$0x8] =	wrdreg s10  }
0x15: {  	s29 =	sadd.s32 $0xFFFB3200, s24;
	s31 =	sadd.s32 $0x28, s16;
	[dreg:$0xb] =	wrdreg s23  }
0x16: {  	s19 =	sshrl.u32 s13, $0x3;
	s24 =	simm.s32 $0x6;
	[dreg:$0xc] =	wrdreg s25  }
0x17: {  	s9 =	sadd.s32 s9, s7;
	s7 =	sadd.s32 s17, s7;
	[dreg:$0xf] =	wrdreg s29  }
0x18: {  	s17 =	smul.u32 $0xA00, s11;
	s10 =	sor.u32 $0x1C07, s20;
	[dreg:$0xe] =	wrdreg s31  }
0x19: {  	s23 =	simm.s32 $0x5;
	s25 =	simm.s32 $0x80;
	s9 =	sadd.s32 $0x52400, s9  }
0x1a: {  	s11 =	simm.s32 $0x4;
	s7 =	sadd.s32 $0xA1400, s7;
	[dreg:$0x9] =	wrdreg s9  }
0x1b: {  	[dreg:$0xa] =	wrdreg s7;
	s0 =	sadd.s32 s17, s0;
	s7 =	simm.s32 $0x1  }
0x1c: {  	s9 =	simm.s32 $0x2;
	s26 =	sadd.s32 $0x10, s0;
	s18 =	sadd.s32 $0x510, s0  }
0x1d: {  	s0 =	simm.s32 $0xA880;
	[dreg:$0xd] =	wrdreg s26;
	s26 =	simm.s32 $0x2800  }
.LBB2_1:
0x1e: {  	s12 =	rddreg [dreg:$0x8]  }
0x1f: {  	[spmem:s19], [sflag:s10] =	dma.local [hbm:s12], $0x2780  }
0x20: {  	_ =	swait.ge [sflag:s21], $0x2780  }
0x21: {  	[sflag:s21] =	ssyncset.done $0x0  }
0x22: {  	s12 =	rddreg [dreg:$0x7];
	[sflag:s21] =	ssyncadd.s32 $0xFFFFD880  }
0x23: {  	[spmem:s22], [sflag:s10] =	dma.local @!p0 [hbm:s12], $0x4F0  }
0x24: {  	s12 =	simm.s32 @!p0 $0x7  }
0x25: {  	_ =	swait.ge @!p0 [sflag:s12], $0x4F0  }
0x26: {  	[sflag:s12] =	ssyncset.done @!p0 $0x0  }
0x27: {  	s13 =	sshrl.u32 @!p0 s3, $0x3;
	s14 =	rddreg [dreg:$0x6];
	[sflag:s12] =	ssyncadd.s32 @!p0 $0xFFFFFB10  }
0x28: {  	[spmem:s13], [sflag:s10] =	dma.local @!p0 [hbm:s14], $0x4F0  }
0x29: {  	_ =	swait.ge @!p0 [sflag:s12], $0x4F0  }
0x2a: {  	[sflag:s12] =	ssyncset.done @!p0 $0x0  }
0x2b: {  	[sflag:s12] =	ssyncadd.s32 @!p0 $0xFFFFFB10  }
0x2c: {  	[bflag:$0x0] =	sbarrier.arrive $0xFFFF  }
0x2d: {  	p1 =	sgt.u32 s16, $0x9C3;
	s15 =	rddreg [dreg:$0xc]  }
0x2e: {  	s12 =	sshrl.u32 @p1 s15, $0x3  }
0x2f: {  	s13 =	simm.s32 @p1 $0x0;
	s14 =	simm.s32 @p1 $0x0;
	s12 =	sadd.s32 @p1 s5, s12  }
0x30: {  	[tilespmem:s13], [sflag:$0x5] =	stream.linear.gather @p1 [hbm4b:s12+s14], $0x80, $0x38;
	[tilespmem:$0x1E9F0] =	vst v63  }
0x31: {  	p1 =	por p1, p1  }
0x32: {  	s13 =	simm.s32 @p1 $0x1400  }
0x33: {  	[tilespmem:s13], [sflag:$0x6] =	stream.linear.gather @p1 [hbm4b:s12+s14], $0x80, $0x38;
	[tilespmem:$0x1E9F0] =	vst v63  }
0x34: {  	s17 =	smov.u32 s19;
	s13 =	rddreg [dreg:$0xd]  }
0x35: {  	s31 =	simm.s32 @!p1 $0x0;
	s19 =	simm.s32 @!p1 $0x0;
	s12 =	sadd.s32 @!p1 $0xFFFFFFF0, s13  }
0x36: {  	[tilespmem:s31], [sflag:$0x5] =	stream.linear.gather @!p1 [hbm4b:s12+s19], $0x80, $0x38;
	[tilespmem:$0x1E9F0] =	vst v63  }
0x37: {  	s29 =	sadd.s32 $0x1, s16;
	s14 =	smov.u32 s15;
	s12 =	simm.s32 $0x200  }
.LBB2_2:
0x38: {  	p2 =	sgt.u32 s29, $0x9C3  }
0x39: {  	s31 =	sadd.s32 @!p1 $0x1400, s31;
	s14 =	sadd.s32 $0x80, s14;
	s15 =	smov.u32 s12  }
0x3a: {  	[tilespmem:s31], [sflag:$0x6] =	stream.linear.gather @!p1 [hbm4b:s13+s19], $0x80, $0x38;
	[tilespmem:$0x1E9F0] =	vst v63  }
0x3b: {  	s12 =	sadd.s32 $0x200, s12;
	s19 =	sshra.s32 @p2 s15, $0x2;
	s31 =	sshrl.u32 @p2 s14, $0x3  }
0x3c: {  	s20 =	simm.s32 @p2 $0x0;
	p3 =	sne.s32 s12, $0x5000;
	s31 =	sadd.s32 @p2 s5, s31  }
0x3d: {  	[tilespmem:s19], [sflag:$0x5] =	stream.linear.gather @p2 [hbm4b:s31+s20], $0x80, $0x38;
	[tilespmem:$0x1E9F0] =	vst v63  }
.Ltmp0:
0x3e: {  	p1 =	por p2, p2;
	(pc) =	sbr.rel @p3 .LBB2_2-.Ltmp0, $4  }
0x3f: {  	s29 =	sadd.s32 $0x1, s29;
	s13 =	sadd.s32 $0x20, s13;
	s19 =	sadd.s32 @p1 $0x1400, s19  }
0x40: {  	[tilespmem:s19], [sflag:$0x6] =	stream.linear.gather @p1 [hbm4b:s31+s20], $0x80, $0x38;
	[tilespmem:$0x1E9F0] =	vst v63  }
0x41: {  	s31 =	sshra.s32 @!p1 s15, $0x2;
	s15 =	sadd.s32 @!p1 $0xFFFFFFF0, s13;
	s19 =	simm.s32 @!p1 $0x0  }
0x42: {  	[tilespmem:s31], [sflag:$0x5] =	stream.linear.gather @!p1 [hbm4b:s15+s19], $0x80, $0x38;
	[tilespmem:$0x1E9F0] =	vst v63  }
0x43: {  	s12 =	sadd.s32 @!p1 $0x1400, s31  }
0x44: {  	[tilespmem:s12], [sflag:$0x6] =	stream.linear.gather @!p1 [hbm4b:s13+s19], $0x80, $0x38;
	[tilespmem:$0x1E9F0] =	vst v63  }
0x45: {  	_ =	swait.ge [sflag:s23], $0x80  }
0x46: {  	[sflag:s23] =	ssyncset.done $0x0  }
0x47: {  	[sflag:s23] =	ssyncadd.s32 $0xFFFFFF80  }
0x48: {  	_ =	swait.ge [sflag:s24], $0x80  }
0x49: {  	s12 =	simm.s32 $0x27;
	[sflag:s24] =	ssyncset.done $0x0  }
.LBB2_4:
0x4a: {  	p1 =	sne.s32 s12, $0x1;
	s12 =	sadd.s32 $0xFFFFFFFF, s12;
	[sflag:s24] =	ssyncadd.s32 $0xFFFFFF80  }
.Ltmp1:
0x4b: {  	_ =	swait.ge [sflag:s23], $0x80;
	(pc) =	sbr.rel @p1 .LBB2_4-.Ltmp1, $4  }
0x4c: {  	[sflag:s23] =	ssyncset.done $0x0  }
0x4d: {  	[sflag:s23] =	ssyncadd.s32 $0xFFFFFF80  }
0x4e: {  	_ =	swait.ge [sflag:s24], $0x80  }
0x4f: {  	[sflag:s24] =	ssyncset.done $0x0  }
0x50: {  	[sflag:s24] =	ssyncadd.s32 $0xFFFFFF80;
	s12 =	simm.s32 $0x0  }
0x51: {  	[tilespmem:s26], [sflag:$0x1] =	stream.indirect.gather [hbm4b:s6+s25], $0x80, s12, s25, $0xb8;
	[tilespmem:$0x1E9F0] =	vst v63  }
0x52: {  	_ = 	snop  }
0x53: {  	[tilespmem:s28], [sflag:$0x2] =	stream.indirect.gather [hbm4b:s6+s25], $0x80, s25, s25, $0xb8;
	[tilespmem:$0x1E9F0] =	vst v63  }
0x54: {  	s20 =	simm.s32 $0x1400  }
0x55: {  	[tilespmem:s30], [sflag:$0x3] =	stream.indirect.gather [spmem:s3], $0x1, s20, s25, $0xb8;
	[tilespmem:$0x1E9F0] =	vst v63  }
0x56: {  	s29 =	simm.s32 $0x1480  }
0x57: {  	[tilespmem:s0], [sflag:$0x4] =	stream.indirect.gather [spmem:s3], $0x1, s29, s25, $0xb8;
	[tilespmem:$0x1E9F0] =	vst v63  }
0x58: {  	_ =	swait.ge [sflag:s7], $0x4000  }
0x59: {  	[sflag:s7] =	ssyncset.done $0x0  }
0x5a: {  	s31 =	simm.s32 $0x100;
	[sflag:s7] =	ssyncadd.s32 $0xFFFFC000  }
0x5b: {  	[tilespmem:s26], [sflag:$0x1] =	stream.indirect.gather [hbm4b:s6+s25], $0x80, s31, s25, $0xb8;
	[tilespmem:$0x1E9F0] =	vst v63  }
0x5c: {  	s13 =	simm.s32 $0x1400  }
0x5d: {  	[spmem:s1] =	stream.indirect.scatter.add.f32 [tilespmem:s26], [sflag:$0x7], $0x80, s13, s25, $0xb8;
	[tilespmem:$0x1E9F0] =	vst v63  }
0x5e: {  	_ =	swait.ge [sflag:s21], $0x4000  }
0x5f: {  	[sflag:s21] =	ssyncset.done $0x0  }
0x60: {  	[sflag:s21] =	ssyncadd.s32 $0xFFFFC000  }
0x61: {  	_ =	swait.ge [sflag:s8], $0x80  }
0x62: {  	[sflag:s8] =	ssyncset.done $0x0  }
0x63: {  	s14 =	simm.s32 $0x1500;
	[sflag:s8] =	ssyncadd.s32 $0xFFFFFF80  }
0x64: {  	[tilespmem:s30], [sflag:$0x3] =	stream.indirect.gather [spmem:s3], $0x1, s14, s25, $0xb8;
	[tilespmem:$0x1E9F0] =	vst v63  }
0x65: {  	s15 =	simm.s32 $0x0  }
0x66: {  	[spmem:s2] =	stream.indirect.scatter.add.f32 [tilespmem:s30], [sflag:$0x7], $0x1, s15, s25, $0xb8;
	[tilespmem:$0x1E9F0] =	vst v63  }
0x67: {  	_ =	swait.ge [sflag:s21], $0x80  }
0x68: {  	[sflag:s21] =	ssyncset.done $0x0  }
0x69: {  	[sflag:s21] =	ssyncadd.s32 $0xFFFFFF80  }
0x6a: {  	_ =	swait.ge [sflag:s9], $0x4000  }
0x6b: {  	[sflag:s9] =	ssyncset.done $0x0  }
0x6c: {  	s19 =	simm.s32 $0x180;
	[sflag:s9] =	ssyncadd.s32 $0xFFFFC000  }
0x6d: {  	[tilespmem:s28], [sflag:$0x2] =	stream.indirect.gather [hbm4b:s6+s25], $0x80, s19, s25, $0xb8;
	[tilespmem:$0x1E9F0] =	vst v63  }
0x6e: {  	s20 =	simm.s32 $0x1480  }
0x6f: {  	[spmem:s1] =	stream.indirect.scatter.add.f32 [tilespmem:s28], [sflag:$0x7], $0x80, s20, s25, $0xb8;
	[tilespmem:$0x1E9F0] =	vst v63  }
0x70: {  	_ =	swait.ge [sflag:s21], $0x4000  }
0x71: {  	[sflag:s21] =	ssyncset.done $0x0  }
0x72: {  	[sflag:s21] =	ssyncadd.s32 $0xFFFFC000  }
0x73: {  	_ =	swait.ge [sflag:s11], $0x80  }
0x74: {  	[sflag:s11] =	ssyncset.done $0x0  }
0x75: {  	s29 =	simm.s32 $0x1580;
	[sflag:s11] =	ssyncadd.s32 $0xFFFFFF80  }
0x76: {  	[tilespmem:s0], [sflag:$0x4] =	stream.indirect.gather [spmem:s3], $0x1, s29, s25, $0xb8;
	[tilespmem:$0x1E9F0] =	vst v63  }
0x77: {  	s31 =	simm.s32 $0x80  }
0x78: {  	[spmem:s2] =	stream.indirect.scatter.add.f32 [tilespmem:s0], [sflag:$0x7], $0x1, s31, s25, $0xb8;
	[tilespmem:$0x1E9F0] =	vst v63  }
0x79: {  	_ =	swait.ge [sflag:s21], $0x80  }
0x7a: {  	s12 =	simm.s32 $0x400;
	[sflag:s21] =	ssyncset.done $0x0  }
.LBB2_6:
0x7b: {  	p1 =	sne.s32 s12, $0x4800  }
0x7c: {  	[sflag:s21] =	ssyncadd.s32 $0xFFFFFF80;
	s13 =	smov.u32 s12;
	s12 =	sadd.s32 $0x400, s12  }
0x7d: {  	_ = 	snop  }
0x7e: {  	_ =	swait.ge [sflag:s7], $0x4000  }
0x7f: {  	s13 =	sshra.s32 s13, $0x2;
	[sflag:s7] =	ssyncset.done $0x0  }
0x80: {  	s14 =	sadd.s32 $0x100, s13;
	[sflag:s7] =	ssyncadd.s32 $0xFFFFC000  }
0x81: {  	[tilespmem:s26], [sflag:$0x1] =	stream.indirect.gather [hbm4b:s6+s25], $0x80, s14, s25, $0xb8;
	[tilespmem:$0x1E9F0] =	vst v63  }
0x82: {  	s14 =	sadd.s32 $0x1400, s13  }
0x83: {  	[spmem:s1] =	stream.indirect.scatter.add.f32 [tilespmem:s26], [sflag:$0x7], $0x80, s14, s25, $0xb8;
	[tilespmem:$0x1E9F0] =	vst v63  }
0x84: {  	_ =	swait.ge [sflag:s21], $0x4000  }
0x85: {  	[sflag:s21] =	ssyncset.done $0x0  }
0x86: {  	[sflag:s21] =	ssyncadd.s32 $0xFFFFC000  }
0x87: {  	_ =	swait.ge [sflag:s8], $0x80  }
0x88: {  	[sflag:s8] =	ssyncset.done $0x0  }
0x89: {  	s14 =	sadd.s32 $0x1500, s13;
	[sflag:s8] =	ssyncadd.s32 $0xFFFFFF80  }
0x8a: {  	[tilespmem:s30], [sflag:$0x3] =	stream.indirect.gather [spmem:s3], $0x1, s14, s25, $0xb8;
	[tilespmem:$0x1E9F0] =	vst v63  }
0x8b: {  	_ = 	snop  }
0x8c: {  	[spmem:s2] =	stream.indirect.scatter.add.f32 [tilespmem:s30], [sflag:$0x7], $0x1, s13, s25, $0xb8;
	[tilespmem:$0x1E9F0] =	vst v63  }
0x8d: {  	_ =	swait.ge [sflag:s21], $0x80  }
0x8e: {  	[sflag:s21] =	ssyncset.done $0x0  }
0x8f: {  	[sflag:s21] =	ssyncadd.s32 $0xFFFFFF80  }
0x90: {  	_ =	swait.ge [sflag:s9], $0x4000  }
0x91: {  	[sflag:s9] =	ssyncset.done $0x0  }
0x92: {  	s14 =	sadd.s32 $0x180, s13;
	[sflag:s9] =	ssyncadd.s32 $0xFFFFC000  }
0x93: {  	[tilespmem:s28], [sflag:$0x2] =	stream.indirect.gather [hbm4b:s6+s25], $0x80, s14, s25, $0xb8;
	[tilespmem:$0x1E9F0] =	vst v63  }
0x94: {  	s14 =	sadd.s32 $0x1480, s13  }
0x95: {  	[spmem:s1] =	stream.indirect.scatter.add.f32 [tilespmem:s28], [sflag:$0x7], $0x80, s14, s25, $0xb8;
	[tilespmem:$0x1E9F0] =	vst v63  }
0x96: {  	_ =	swait.ge [sflag:s21], $0x4000  }
0x97: {  	[sflag:s21] =	ssyncset.done $0x0  }
0x98: {  	[sflag:s21] =	ssyncadd.s32 $0xFFFFC000  }
0x99: {  	_ =	swait.ge [sflag:s11], $0x80  }
0x9a: {  	[sflag:s11] =	ssyncset.done $0x0  }
0x9b: {  	s14 =	sadd.s32 $0x1580, s13;
	[sflag:s11] =	ssyncadd.s32 $0xFFFFFF80  }
0x9c: {  	[tilespmem:s0], [sflag:$0x4] =	stream.indirect.gather [spmem:s3], $0x1, s14, s25, $0xb8;
	[tilespmem:$0x1E9F0] =	vst v63  }
.Ltmp2:
0x9d: {  	_ = 	snop;
	(pc) =	sbr.rel @p1 .LBB2_6-.Ltmp2, $4  }
0x9e: {  	s13 =	sadd.s32 $0x80, s13  }
0x9f: {  	[spmem:s2] =	stream.indirect.scatter.add.f32 [tilespmem:s0], [sflag:$0x7], $0x1, s13, s25, $0xb8;
	[tilespmem:$0x1E9F0] =	vst v63  }
0xa0: {  	_ =	swait.ge [sflag:s21], $0x80  }
0xa1: {  	[sflag:s21] =	ssyncset.done $0x0  }
0xa2: {  	[sflag:s21] =	ssyncadd.s32 $0xFFFFFF80  }
0xa3: {  	_ =	swait.ge [sflag:s7], $0x4000  }
0xa4: {  	[sflag:s7] =	ssyncset.done $0x0  }
0xa5: {  	s12 =	simm.s32 $0x2700;
	[sflag:s7] =	ssyncadd.s32 $0xFFFFC000  }
0xa6: {  	[spmem:s1] =	stream.indirect.scatter.add.f32 [tilespmem:s26], [sflag:$0x7], $0x80, s12, s25, $0xb8;
	[tilespmem:$0x1E9F0] =	vst v63  }
0xa7: {  	_ =	swait.ge [sflag:s21], $0x4000  }
0xa8: {  	[sflag:s21] =	ssyncset.done $0x0  }
0xa9: {  	[sflag:s21] =	ssyncadd.s32 $0xFFFFC000  }
0xaa: {  	_ =	swait.ge [sflag:s8], $0x80  }
0xab: {  	[sflag:s8] =	ssyncset.done $0x0  }
0xac: {  	s15 =	simm.s32 $0x1300;
	[sflag:s8] =	ssyncadd.s32 $0xFFFFFF80  }
0xad: {  	[spmem:s2] =	stream.indirect.scatter.add.f32 [tilespmem:s30], [sflag:$0x7], $0x1, s15, s25, $0xb8;
	[tilespmem:$0x1E9F0] =	vst v63  }
0xae: {  	_ =	swait.ge [sflag:s21], $0x80  }
0xaf: {  	[sflag:s21] =	ssyncset.done $0x0  }
0xb0: {  	[sflag:s21] =	ssyncadd.s32 $0xFFFFFF80  }
0xb1: {  	_ =	swait.ge [sflag:s9], $0x4000  }
0xb2: {  	[sflag:s9] =	ssyncset.done $0x0  }
0xb3: {  	s19 =	simm.s32 $0x2780;
	[sflag:s9] =	ssyncadd.s32 $0xFFFFC000  }
0xb4: {  	[spmem:s1] =	stream.indirect.scatter.add.f32 [tilespmem:s28], [sflag:$0x7], $0x80, s19, s25, $0xb8;
	[tilespmem:$0x1E9F0] =	vst v63  }
0xb5: {  	_ =	swait.ge [sflag:s21], $0x4000  }
0xb6: {  	[sflag:s21] =	ssyncset.done $0x0  }
0xb7: {  	[sflag:s21] =	ssyncadd.s32 $0xFFFFC000  }
0xb8: {  	_ =	swait.ge [sflag:s11], $0x80  }
0xb9: {  	[sflag:s11] =	ssyncset.done $0x0  }
0xba: {  	s20 =	simm.s32 $0x1380;
	[sflag:s11] =	ssyncadd.s32 $0xFFFFFF80  }
0xbb: {  	[spmem:s2] =	stream.indirect.scatter.add.f32 [tilespmem:s0], [sflag:$0x7], $0x1, s20, s25, $0xb8;
	[tilespmem:$0x1E9F0] =	vst v63  }
0xbc: {  	_ =	swait.ge [sflag:s21], $0x80  }
0xbd: {  	s15 =	rddreg [dreg:$0xe]  }
0xbe: {  	[sflag:s21] =	ssyncset.done $0x0;
	s20 =	rddreg [dreg:$0xf];
	p1 =	sgt.u32 s15, $0x9C3  }
0xbf: {  	[sflag:s21] =	ssyncadd.s32 $0xFFFFFF80;
	s12 =	sshrl.u32 @p1 s20, $0x3  }
0xc0: {  	s13 =	simm.s32 @p1 $0x0;
	s14 =	simm.s32 @p1 $0x0;
	s12 =	sadd.s32 @p1 s5, s12  }
0xc1: {  	[tilespmem:s13], [sflag:$0x5] =	stream.linear.gather @p1 [hbm4b:s12+s14], $0x80, $0x38;
	[tilespmem:$0x1E9F0] =	vst v63  }
0xc2: {  	p1 =	por p1, p1  }
0xc3: {  	s29 =	sadd.s32 $0x1, s15;
	s13 =	simm.s32 @p1 $0x1400  }
0xc4: {  	[tilespmem:s13], [sflag:$0x6] =	stream.linear.gather @p1 [hbm4b:s12+s14], $0x80, $0x38;
	[tilespmem:$0x1E9F0] =	vst v63  }
0xc5: {  	s31 =	simm.s32 @!p1 $0x0;
	s19 =	simm.s32 @!p1 $0x0;
	s12 =	sadd.s32 @!p1 $0xFFFFFFF0, s18  }
0xc6: {  	[tilespmem:s31], [sflag:$0x5] =	stream.linear.gather @!p1 [hbm4b:s12+s19], $0x80, $0x38;
	[tilespmem:$0x1E9F0] =	vst v63  }
0xc7: {  	s14 =	smov.u32 s20;
	s13 =	smov.u32 s18;
	s12 =	simm.s32 $0x200  }
.LBB2_8:
0xc8: {  	p2 =	sgt.u32 s29, $0x9C3  }
0xc9: {  	s15 =	sadd.s32 @!p1 $0x1400, s31;
	s14 =	sadd.s32 $0x80, s14;
	s20 =	smov.u32 s12  }
0xca: {  	[tilespmem:s15], [sflag:$0x6] =	stream.linear.gather @!p1 [hbm4b:s13+s19], $0x80, $0x38;
	[tilespmem:$0x1E9F0] =	vst v63  }
0xcb: {  	s12 =	sadd.s32 $0x200, s12;
	s15 =	sshra.s32 @p2 s20, $0x2;
	s19 =	sshrl.u32 @p2 s14, $0x3  }
0xcc: {  	s31 =	simm.s32 @p2 $0x0;
	p3 =	sne.s32 s12, $0x5000;
	s19 =	sadd.s32 @p2 s5, s19  }
0xcd: {  	[tilespmem:s15], [sflag:$0x5] =	stream.linear.gather @p2 [hbm4b:s19+s31], $0x80, $0x38;
	[tilespmem:$0x1E9F0] =	vst v63  }
.Ltmp3:
0xce: {  	p1 =	por p2, p2;
	(pc) =	sbr.rel @p3 .LBB2_8-.Ltmp3, $4  }
0xcf: {  	s29 =	sadd.s32 $0x1, s29;
	s13 =	sadd.s32 $0x20, s13;
	s15 =	sadd.s32 @p1 $0x1400, s15  }
0xd0: {  	[tilespmem:s15], [sflag:$0x6] =	stream.linear.gather @p1 [hbm4b:s19+s31], $0x80, $0x38;
	[tilespmem:$0x1E9F0] =	vst v63  }
0xd1: {  	s31 =	sshra.s32 @!p1 s20, $0x2;
	s15 =	sadd.s32 @!p1 $0xFFFFFFF0, s13;
	s19 =	simm.s32 @!p1 $0x0  }
0xd2: {  	[tilespmem:s31], [sflag:$0x5] =	stream.linear.gather @!p1 [hbm4b:s15+s19], $0x80, $0x38;
	[tilespmem:$0x1E9F0] =	vst v63  }
0xd3: {  	s12 =	sadd.s32 @!p1 $0x1400, s31  }
0xd4: {  	[tilespmem:s12], [sflag:$0x6] =	stream.linear.gather @!p1 [hbm4b:s13+s19], $0x80, $0x38;
	[tilespmem:$0x1E9F0] =	vst v63  }
0xd5: {  	_ =	swait.ge [sflag:s23], $0x80  }
0xd6: {  	[sflag:s23] =	ssyncset.done $0x0  }
0xd7: {  	[sflag:s23] =	ssyncadd.s32 $0xFFFFFF80  }
0xd8: {  	_ =	swait.ge [sflag:s24], $0x80  }
0xd9: {  	s12 =	simm.s32 $0x27;
	[sflag:s24] =	ssyncset.done $0x0  }
.LBB2_10:
0xda: {  	p1 =	sne.s32 s12, $0x1;
	s12 =	sadd.s32 $0xFFFFFFFF, s12;
	[sflag:s24] =	ssyncadd.s32 $0xFFFFFF80  }
.Ltmp4:
0xdb: {  	_ =	swait.ge [sflag:s23], $0x80;
	(pc) =	sbr.rel @p1 .LBB2_10-.Ltmp4, $4  }
0xdc: {  	[sflag:s23] =	ssyncset.done $0x0  }
0xdd: {  	[sflag:s23] =	ssyncadd.s32 $0xFFFFFF80  }
0xde: {  	_ =	swait.ge [sflag:s24], $0x80  }
0xdf: {  	[sflag:s24] =	ssyncset.done $0x0  }
0xe0: {  	[sflag:s24] =	ssyncadd.s32 $0xFFFFFF80;
	s12 =	simm.s32 $0x0  }
0xe1: {  	[tilespmem:s26], [sflag:$0x1] =	stream.indirect.gather [hbm4b:s6+s25], $0x80, s12, s25, $0xb8;
	[tilespmem:$0x1E9F0] =	vst v63  }
0xe2: {  	_ = 	snop  }
0xe3: {  	[tilespmem:s28], [sflag:$0x2] =	stream.indirect.gather [hbm4b:s6+s25], $0x80, s25, s25, $0xb8;
	[tilespmem:$0x1E9F0] =	vst v63  }
0xe4: {  	s20 =	simm.s32 $0x1400  }
0xe5: {  	[tilespmem:s30], [sflag:$0x3] =	stream.indirect.gather [spmem:s3], $0x1, s20, s25, $0xb8;
	[tilespmem:$0x1E9F0] =	vst v63  }
0xe6: {  	s29 =	simm.s32 $0x1480  }
0xe7: {  	[tilespmem:s0], [sflag:$0x4] =	stream.indirect.gather [spmem:s3], $0x1, s29, s25, $0xb8;
	[tilespmem:$0x1E9F0] =	vst v63  }
0xe8: {  	_ =	swait.ge [sflag:s7], $0x4000  }
0xe9: {  	[sflag:s7] =	ssyncset.done $0x0  }
0xea: {  	s31 =	simm.s32 $0x100;
	[sflag:s7] =	ssyncadd.s32 $0xFFFFC000  }
0xeb: {  	[tilespmem:s26], [sflag:$0x1] =	stream.indirect.gather [hbm4b:s6+s25], $0x80, s31, s25, $0xb8;
	[tilespmem:$0x1E9F0] =	vst v63  }
0xec: {  	s13 =	simm.s32 $0x1400  }
0xed: {  	[spmem:s1] =	stream.indirect.scatter.add.f32 [tilespmem:s26], [sflag:$0x7], $0x80, s13, s25, $0xb8;
	[tilespmem:$0x1E9F0] =	vst v63  }
0xee: {  	_ =	swait.ge [sflag:s21], $0x4000  }
0xef: {  	[sflag:s21] =	ssyncset.done $0x0  }
0xf0: {  	[sflag:s21] =	ssyncadd.s32 $0xFFFFC000  }
0xf1: {  	_ =	swait.ge [sflag:s8], $0x80  }
0xf2: {  	[sflag:s8] =	ssyncset.done $0x0  }
0xf3: {  	s14 =	simm.s32 $0x1500;
	[sflag:s8] =	ssyncadd.s32 $0xFFFFFF80  }
0xf4: {  	[tilespmem:s30], [sflag:$0x3] =	stream.indirect.gather [spmem:s3], $0x1, s14, s25, $0xb8;
	[tilespmem:$0x1E9F0] =	vst v63  }
0xf5: {  	s15 =	simm.s32 $0x0  }
0xf6: {  	[spmem:s2] =	stream.indirect.scatter.add.f32 [tilespmem:s30], [sflag:$0x7], $0x1, s15, s25, $0xb8;
	[tilespmem:$0x1E9F0] =	vst v63  }
0xf7: {  	_ =	swait.ge [sflag:s21], $0x80  }
0xf8: {  	[sflag:s21] =	ssyncset.done $0x0  }
0xf9: {  	[sflag:s21] =	ssyncadd.s32 $0xFFFFFF80  }
0xfa: {  	_ =	swait.ge [sflag:s9], $0x4000  }
0xfb: {  	[sflag:s9] =	ssyncset.done $0x0  }
0xfc: {  	s19 =	simm.s32 $0x180;
	[sflag:s9] =	ssyncadd.s32 $0xFFFFC000  }
0xfd: {  	[tilespmem:s28], [sflag:$0x2] =	stream.indirect.gather [hbm4b:s6+s25], $0x80, s19, s25, $0xb8;
	[tilespmem:$0x1E9F0] =	vst v63  }
0xfe: {  	s20 =	simm.s32 $0x1480  }
0xff: {  	[spmem:s1] =	stream.indirect.scatter.add.f32 [tilespmem:s28], [sflag:$0x7], $0x80, s20, s25, $0xb8;
	[tilespmem:$0x1E9F0] =	vst v63  }
0x100: {  	_ =	swait.ge [sflag:s21], $0x4000  }
0x101: {  	[sflag:s21] =	ssyncset.done $0x0  }
0x102: {  	[sflag:s21] =	ssyncadd.s32 $0xFFFFC000  }
0x103: {  	_ =	swait.ge [sflag:s11], $0x80  }
0x104: {  	[sflag:s11] =	ssyncset.done $0x0  }
0x105: {  	s29 =	simm.s32 $0x1580;
	[sflag:s11] =	ssyncadd.s32 $0xFFFFFF80  }
0x106: {  	[tilespmem:s0], [sflag:$0x4] =	stream.indirect.gather [spmem:s3], $0x1, s29, s25, $0xb8;
	[tilespmem:$0x1E9F0] =	vst v63  }
0x107: {  	s31 =	simm.s32 $0x80  }
0x108: {  	[spmem:s2] =	stream.indirect.scatter.add.f32 [tilespmem:s0], [sflag:$0x7], $0x1, s31, s25, $0xb8;
	[tilespmem:$0x1E9F0] =	vst v63  }
0x109: {  	_ =	swait.ge [sflag:s21], $0x80  }
0x10a: {  	s12 =	simm.s32 $0x400;
	s19 =	smov.u32 s17;
	[sflag:s21] =	ssyncset.done $0x0  }
.LBB2_12:
0x10b: {  	p1 =	sne.s32 s12, $0x4800  }
0x10c: {  	[sflag:s21] =	ssyncadd.s32 $0xFFFFFF80;
	s13 =	smov.u32 s12;
	s12 =	sadd.s32 $0x400, s12  }
0x10d: {  	_ = 	snop  }
0x10e: {  	_ =	swait.ge [sflag:s7], $0x4000  }
0x10f: {  	s13 =	sshra.s32 s13, $0x2;
	[sflag:s7] =	ssyncset.done $0x0  }
0x110: {  	s14 =	sadd.s32 $0x100, s13;
	[sflag:s7] =	ssyncadd.s32 $0xFFFFC000  }
0x111: {  	[tilespmem:s26], [sflag:$0x1] =	stream.indirect.gather [hbm4b:s6+s25], $0x80, s14, s25, $0xb8;
	[tilespmem:$0x1E9F0] =	vst v63  }
0x112: {  	s14 =	sadd.s32 $0x1400, s13  }
0x113: {  	[spmem:s1] =	stream.indirect.scatter.add.f32 [tilespmem:s26], [sflag:$0x7], $0x80, s14, s25, $0xb8;
	[tilespmem:$0x1E9F0] =	vst v63  }
0x114: {  	_ =	swait.ge [sflag:s21], $0x4000  }
0x115: {  	[sflag:s21] =	ssyncset.done $0x0  }
0x116: {  	[sflag:s21] =	ssyncadd.s32 $0xFFFFC000  }
0x117: {  	_ =	swait.ge [sflag:s8], $0x80  }
0x118: {  	[sflag:s8] =	ssyncset.done $0x0  }
0x119: {  	s14 =	sadd.s32 $0x1500, s13;
	[sflag:s8] =	ssyncadd.s32 $0xFFFFFF80  }
0x11a: {  	[tilespmem:s30], [sflag:$0x3] =	stream.indirect.gather [spmem:s3], $0x1, s14, s25, $0xb8;
	[tilespmem:$0x1E9F0] =	vst v63  }
0x11b: {  	_ = 	snop  }
0x11c: {  	[spmem:s2] =	stream.indirect.scatter.add.f32 [tilespmem:s30], [sflag:$0x7], $0x1, s13, s25, $0xb8;
	[tilespmem:$0x1E9F0] =	vst v63  }
0x11d: {  	_ =	swait.ge [sflag:s21], $0x80  }
0x11e: {  	[sflag:s21] =	ssyncset.done $0x0  }
0x11f: {  	[sflag:s21] =	ssyncadd.s32 $0xFFFFFF80  }
0x120: {  	_ =	swait.ge [sflag:s9], $0x4000  }
0x121: {  	[sflag:s9] =	ssyncset.done $0x0  }
0x122: {  	s14 =	sadd.s32 $0x180, s13;
	[sflag:s9] =	ssyncadd.s32 $0xFFFFC000  }
0x123: {  	[tilespmem:s28], [sflag:$0x2] =	stream.indirect.gather [hbm4b:s6+s25], $0x80, s14, s25, $0xb8;
	[tilespmem:$0x1E9F0] =	vst v63  }
0x124: {  	s14 =	sadd.s32 $0x1480, s13  }
0x125: {  	[spmem:s1] =	stream.indirect.scatter.add.f32 [tilespmem:s28], [sflag:$0x7], $0x80, s14, s25, $0xb8;
	[tilespmem:$0x1E9F0] =	vst v63  }
0x126: {  	_ =	swait.ge [sflag:s21], $0x4000  }
0x127: {  	[sflag:s21] =	ssyncset.done $0x0  }
0x128: {  	[sflag:s21] =	ssyncadd.s32 $0xFFFFC000  }
0x129: {  	_ =	swait.ge [sflag:s11], $0x80  }
0x12a: {  	[sflag:s11] =	ssyncset.done $0x0  }
0x12b: {  	s14 =	sadd.s32 $0x1580, s13;
	[sflag:s11] =	ssyncadd.s32 $0xFFFFFF80  }
0x12c: {  	[tilespmem:s0], [sflag:$0x4] =	stream.indirect.gather [spmem:s3], $0x1, s14, s25, $0xb8;
	[tilespmem:$0x1E9F0] =	vst v63  }
.Ltmp5:
0x12d: {  	_ = 	snop;
	(pc) =	sbr.rel @p1 .LBB2_12-.Ltmp5, $4  }
0x12e: {  	s13 =	sadd.s32 $0x80, s13  }
0x12f: {  	[spmem:s2] =	stream.indirect.scatter.add.f32 [tilespmem:s0], [sflag:$0x7], $0x1, s13, s25, $0xb8;
	[tilespmem:$0x1E9F0] =	vst v63  }
0x130: {  	_ =	swait.ge [sflag:s21], $0x80  }
0x131: {  	[sflag:s21] =	ssyncset.done $0x0  }
0x132: {  	[sflag:s21] =	ssyncadd.s32 $0xFFFFFF80  }
0x133: {  	_ =	swait.ge [sflag:s7], $0x4000  }
0x134: {  	[sflag:s7] =	ssyncset.done $0x0  }
0x135: {  	s12 =	simm.s32 $0x2700;
	[sflag:s7] =	ssyncadd.s32 $0xFFFFC000  }
0x136: {  	[spmem:s1] =	stream.indirect.scatter.add.f32 [tilespmem:s26], [sflag:$0x7], $0x80, s12, s25, $0xb8;
	[tilespmem:$0x1E9F0] =	vst v63  }
0x137: {  	_ =	swait.ge [sflag:s21], $0x4000  }
0x138: {  	[sflag:s21] =	ssyncset.done $0x0  }
0x139: {  	[sflag:s21] =	ssyncadd.s32 $0xFFFFC000  }
0x13a: {  	_ =	swait.ge [sflag:s8], $0x80  }
0x13b: {  	[sflag:s8] =	ssyncset.done $0x0  }
0x13c: {  	s15 =	simm.s32 $0x1300;
	[sflag:s8] =	ssyncadd.s32 $0xFFFFFF80  }
0x13d: {  	[spmem:s2] =	stream.indirect.scatter.add.f32 [tilespmem:s30], [sflag:$0x7], $0x1, s15, s25, $0xb8;
	[tilespmem:$0x1E9F0] =	vst v63  }
0x13e: {  	_ =	swait.ge [sflag:s21], $0x80  }
0x13f: {  	[sflag:s21] =	ssyncset.done $0x0  }
0x140: {  	[sflag:s21] =	ssyncadd.s32 $0xFFFFFF80  }
0x141: {  	_ =	swait.ge [sflag:s9], $0x4000  }
0x142: {  	[sflag:s9] =	ssyncset.done $0x0  }
0x143: {  	s17 =	simm.s32 $0x2780;
	[sflag:s9] =	ssyncadd.s32 $0xFFFFC000  }
0x144: {  	[spmem:s1] =	stream.indirect.scatter.add.f32 [tilespmem:s28], [sflag:$0x7], $0x80, s17, s25, $0xb8;
	[tilespmem:$0x1E9F0] =	vst v63  }
0x145: {  	_ =	swait.ge [sflag:s21], $0x4000  }
0x146: {  	[sflag:s21] =	ssyncset.done $0x0  }
0x147: {  	[sflag:s21] =	ssyncadd.s32 $0xFFFFC000  }
0x148: {  	_ =	swait.ge [sflag:s11], $0x80  }
0x149: {  	[sflag:s11] =	ssyncset.done $0x0  }
0x14a: {  	s20 =	simm.s32 $0x1380;
	[sflag:s11] =	ssyncadd.s32 $0xFFFFFF80  }
0x14b: {  	[spmem:s2] =	stream.indirect.scatter.add.f32 [tilespmem:s0], [sflag:$0x7], $0x1, s20, s25, $0xb8;
	[tilespmem:$0x1E9F0] =	vst v63  }
0x14c: {  	_ =	swait.ge [sflag:s21], $0x80  }
0x14d: {  	[sflag:s21] =	ssyncset.done $0x0  }
0x14e: {  	[sflag:s21] =	ssyncadd.s32 $0xFFFFFF80  }
0x14f: {  	[bflag:$0x0] =	sbarrier.arrive $0xFFFF  }
0x150: {  	s29 =	rddreg [dreg:$0x9]  }
0x151: {  	[hbm:s29], [sflag:s10] =	dma.local [spmem:s19], $0x2780  }
0x152: {  	_ =	swait.ge [sflag:s21], $0x2780  }
0x153: {  	s13 =	simm.s32 @!p0 $0x20;
	s14 =	simm.s32 @!p0 $0x10;
	[sflag:s21] =	ssyncset.done $0x0  }
0x154: {  	s12 =	simm.s32 @!p0 $0x1;
	s15 =	rddreg [dreg:$0xa];
	[sflag:s21] =	ssyncadd.s32 $0xFFFFD880  }
0x155: {  	[hbm:s15@s13], [sflag:s10] =	dma.strided @!p0 [spmem:s22@s14], $0x4F0, s12, $0x10   }
0x156: {  	s12 =	simm.s32 @!p0 $0x7  }
0x157: {  	_ =	swait.ge @!p0 [sflag:s12], $0x4F0  }
0x158: {  	s4 =	sadd.s32 $0x1, s4;
	s31 =	rddreg [dreg:$0xb]  }
0x159: {  	p1 =	sne.s32 s4, s31  }
.Ltmp6:
0x15a: {  	_ = 	snop;
	(pc) =	sbr.rel @p1 .LBB2_1-.Ltmp6, $3  }
0x15b: {  	_ =	sdelay $0x1  }
0x15c: {  	[sflag:s12] =	ssyncset.done @!p0 $0x0  }
0x15d: {  	[sflag:s12] =	ssyncadd.s32 @!p0 $0xFFFFFB10  }
0x15e: {  	_ =	sfence.sel $0x180000  }
0x15f: {  	[bflag:$0x0] =	sbarrier.arrive $0xFFFF  }
0x160: {  	_ =	strace $0x9000004A  }
0x161: {  	[bflag:$0x2] =	sbarrier.arrive $0xFFFF  }
0x162: {  	s0 =	rddreg [dreg:$0x5]  }
0x163: {  	s0 =	sadd.s32 @!p0 $0x100000, s0  }
0x164: {  	[sflag:s0] =	ssyncadd.tile.s32 @!p0 $0x1;
	_ =	shalt  }
.Lfunc_end2:
_tile_overlayer_lowered:
.L_overlay_start_2:
0x165: {  	(tag) =	ssettag $0x2  }
0x166: {  	s0 =	rddreg [dreg:$0x0];
	s2 =	stileid.u32  }
0x167: {  	s1 =	rddreg [dreg:$0x1];
	p0 =	sne.s32 s2, $0x0  }
0x168: {  	s3 =	rddreg [dreg:$0x2];
	[bflag:$0x3] =	sbarrier.arrive $0xFFFF;
	s2 =	simm.s32 @!p0 $0x1C07  }
0x169: {  	[timem:s3], [sflag:s2] =	dma.local @!p0 [hbm:s0], s1  }
0x16a: {  	s0 =	simm.s32 @!p0 $0x7  }
0x16b: {  	_ =	swait.ge @!p0 [sflag:s0], s1  }
0x16c: {  	s1 =	ssub.s32 @!p0 $0x0, s1;
	[sflag:s0] =	ssyncset.done @!p0 $0x0  }
0x16d: {  	[sflag:s0] =	ssyncadd.s32 @!p0 s1  }
0x16e: {  	[bflag:$0x3] =	sbarrier.arrive $0xFFFF  }
0x16f: {  	_ =	shalt  }

</sc_bundles>
